<compile_context>
chip_gen: v7x
topology: tpu7x:2x2x1
jax: 0.10.2.dev20260603
libtpu: 0.0.44.dev20260713+nightly
codegen_flags: <defaults>
</compile_context>

<pallas_src>
import functools

import jax
import jax.numpy as jnp
from jax import lax
from jax.experimental import pallas as pl
from jax.experimental.pallas import tpu as pltpu
from jax.experimental.pallas import tpu_sc as plsc

NU = 500000
NC = 200000
B = 16384
D = 64

NCORES = 2
NSUB = 16
NW = NCORES * NSUB
EV = B // NW
CH = 2048

RU = 15616
TU = NU - NW * RU
RUB = RU + TU
RC = 6240
TC_ = NC - NW * RC
RCB = RC + TC_

_f32 = jnp.float32
_i32 = jnp.int32

_MESH = plsc.VectorSubcoreMesh(
    core_axis_name="c", subcore_axis_name="s",
    num_cores=NCORES, num_subcores=NSUB)


def _worker_id():
    return lax.axis_index("s") * NCORES + lax.axis_index("c")


def _prep_body(sid, did, cid, sts, dts, cts, st_s, st_d, st_c, lu0, lc0,
               h_s, h_d, h_c, lu, lc, wt_s, wt_d, wt_c,
               idx_v, rows_v, bufA, bufB, wbuf, cbuf, cwbuf, ids_ch, ts_ch,
               nbuf, sem):
    wid = _worker_id()
    is_last = wid == NW - 1
    lane = lax.broadcasted_iota(_i32, (16,), 0)
    nbuf[pl.ds(16, 16)] = jnp.full((16,), -1, _i32)

    ebase = wid * EV
    for ids_hbm, st_hbm, hout in (
            (sid, st_s, h_s), (did, st_d, h_d), (cid, st_c, h_c)):
        pltpu.sync_copy(ids_hbm.at[pl.ds(ebase, EV)], idx_v)
        pltpu.async_copy(st_hbm.at[idx_v], rows_v, sem).wait()
        pltpu.sync_copy(rows_v, hout.at[pl.ds(ebase, EV)])

    def copy_vmem(src, dst, n16):
        def body(i, carry):
            dst[pl.ds(i * 16, 16)] = src[pl.ds(i * 16, 16)]
            return carry
        lax.fori_loop(0, n16, body, 0)

    def scan(ids_hbm, ts_hbm, snap, dst, wdst, lo, hi, blen, use_max):
        def chunk(c, carry):
            pltpu.sync_copy(ids_hbm.at[pl.ds(c * CH, CH)], ids_ch)
            pltpu.sync_copy(ts_hbm.at[pl.ds(c * CH, CH)], ts_ch)

            def vec(j, carry2):
                idv = ids_ch[pl.ds(j * 16, 16)]
                tsv = ts_ch[pl.ds(j * 16, 16)]
                key = idv * 16 + lane
                ks, ts_srt = plsc.sort_key_val(key, tsv)
                ids_srt = lax.shift_right_logical(ks, 4)
                idxg = c * CH + j * 16 + jnp.bitwise_and(ks, 15)
                nbuf[pl.ds(0, 16)] = ids_srt
                nxt = nbuf[pl.ds(1, 16)]
                m = (ids_srt != nxt) & (ids_srt >= lo) & (ids_srt < hi)
                loc = jnp.clip(ids_srt - lo, 0, blen - 1)
                if use_max:
                    old = plsc.load_gather(snap, [loc], mask=m)
                    val = jnp.maximum(old, ts_srt)
                else:
                    val = ts_srt
                plsc.store_scatter(dst, [loc], val, mask=m)
                plsc.store_scatter(wdst, [loc], idxg, mask=m)
                return carry2

            return lax.fori_loop(0, CH // 16, vec, carry)

        lax.fori_loop(0, B // CH, chunk, 0)

    def wout(buf, hbm, r, tail):
        pltpu.sync_copy(buf.at[pl.ds(0, r)], hbm.at[pl.ds(wid * r, r)])

        @pl.when(is_last)
        def _():
            pltpu.sync_copy(buf.at[pl.ds(r, tail)], hbm.at[pl.ds(NW * r, tail)])

    lo_u = wid * RU
    hi_u = lo_u + RU + jnp.where(is_last, TU, 0)
    pltpu.sync_copy(lu0.at[pl.ds(lo_u, RUB)], bufA)
    copy_vmem(bufA, bufB, RUB // 16)
    scan(sid, sts, bufA, bufB, wbuf, lo_u, hi_u, RUB, True)
    wout(wbuf, wt_s, RU, TU)
    copy_vmem(bufB, bufA, RUB // 16)
    scan(did, dts, bufA, bufB, wbuf, lo_u, hi_u, RUB, True)
    wout(wbuf, wt_d, RU, TU)
    wout(bufB, lu, RU, TU)

    lo_c = wid * RC
    hi_c = lo_c + RC + jnp.where(is_last, TC_, 0)
    pltpu.sync_copy(lc0.at[pl.ds(lo_c, RCB)], cbuf)
    scan(cid, cts, None, cbuf, cwbuf, lo_c, hi_c, RCB, False)
    wout(cwbuf, wt_c, RC, TC_)
    wout(cbuf, lc, RC, TC_)


_prep = pl.kernel(
    _prep_body,
    out_type=(
        jax.ShapeDtypeStruct((B, D), _f32),
        jax.ShapeDtypeStruct((B, D), _f32),
        jax.ShapeDtypeStruct((B, D), _f32),
        jax.ShapeDtypeStruct((NU,), _f32),
        jax.ShapeDtypeStruct((NC,), _f32),
        jax.ShapeDtypeStruct((NU,), _i32),
        jax.ShapeDtypeStruct((NU,), _i32),
        jax.ShapeDtypeStruct((NC,), _i32),
    ),
    mesh=_MESH,
    scratch_types=[
        pltpu.VMEM((EV,), _i32),
        pltpu.VMEM((EV, D), _f32),
        pltpu.VMEM((RUB,), _f32),
        pltpu.VMEM((RUB,), _f32),
        pltpu.VMEM((RUB,), _i32),
        pltpu.VMEM((RCB,), _f32),
        pltpu.VMEM((RCB,), _i32),
        pltpu.VMEM((CH,), _i32),
        pltpu.VMEM((CH,), _f32),
        pltpu.VMEM((32,), _i32),
        pltpu.SemaphoreType.DMA,
    ],
    compiler_params=pltpu.CompilerParams(
        needs_layout_passes=False, use_tc_tiling_on_sc=False),
)


def _out_body(sid, did, cid, wt_s, wt_d, wt_c, n_s, n_d, n_c,
              out, idx_v, win_v, rows_v, sem):
    wid = _worker_id()
    ebase = wid * EV
    for k, (ids_hbm, wt_hbm, new_hbm) in enumerate(
            ((sid, wt_s, n_s), (did, wt_d, n_d), (cid, wt_c, n_c))):
        pltpu.sync_copy(ids_hbm.at[pl.ds(ebase, EV)], idx_v)
        pltpu.async_copy(wt_hbm.at[idx_v], win_v, sem).wait()
        pltpu.async_copy(new_hbm.at[win_v], rows_v, sem).wait()
        pltpu.sync_copy(rows_v, out.at[k].at[pl.ds(ebase, EV)])


_out_call = pl.kernel(
    _out_body,
    out_type=jax.ShapeDtypeStruct((3, B, D), _f32),
    mesh=_MESH,
    scratch_types=[
        pltpu.VMEM((EV,), _i32),
        pltpu.VMEM((EV,), _i32),
        pltpu.VMEM((EV, D), _f32),
        pltpu.SemaphoreType.DMA,
    ],
    compiler_params=pltpu.CompilerParams(
        needs_layout_passes=False, use_tc_tiling_on_sc=False),
)

BB = 2048


def _gru_body(xs, hs, xd, hd, xc, hc,
              wis, whs, bis, bhs, wid_, whd, bid_, bhd, wic, whc, bic, bhc,
              os_, od_, oc_):
    for x_ref, h_ref, wi, wh, bi, bh, o_ref in (
            (xs, hs, wis, whs, bis, bhs, os_),
            (xd, hd, wid_, whd, bid_, bhd, od_),
            (xc, hc, wic, whc, bic, bhc, oc_)):
        x = x_ref[...]
        h = h_ref[...]
        gi = jnp.dot(x, wi[...], preferred_element_type=_f32) + bi[...]
        gh = jnp.dot(h, wh[...], preferred_element_type=_f32) + bh[...]
        r = jax.nn.sigmoid(gi[:, :D] + gh[:, :D])
        z = jax.nn.sigmoid(gi[:, D:2 * D] + gh[:, D:2 * D])
        n = jnp.tanh(gi[:, 2 * D:] + r * gh[:, 2 * D:])
        o_ref[...] = (1.0 - z) * n + z * h


def _gru(xs, hs, xd, hd, xc, hc, weights):
    blk = pl.BlockSpec((BB, D), lambda i: (i, 0))
    wspec = pl.BlockSpec((D, 3 * D), lambda i: (0, 0))
    bspec = pl.BlockSpec((1, 3 * D), lambda i: (0, 0))
    in_specs = [blk] * 6 + [wspec, wspec, bspec, bspec] * 3
    return pl.pallas_call(
        _gru_body,
        grid=(B // BB,),
        in_specs=in_specs,
        out_specs=[blk, blk, blk],
        out_shape=[jax.ShapeDtypeStruct((B, D), _f32)] * 3,
    )(xs, hs, xd, hd, xc, hc, *weights)


def kernel(user_src_ids, user_dst_ids, cas_ids, user_src_messages,
           user_dst_messages, cas_messages, user_src_timestamps,
           user_dst_timestamps, cas_timestamps, user_src_state,
           user_dst_state, cas_state, last_update_user, last_update_cas,
           W_ih_src, W_hh_src, b_ih_src, b_hh_src, W_ih_dst, W_hh_dst,
           b_ih_dst, b_hh_dst, W_ih_cas, W_hh_cas, b_ih_cas, b_hh_cas):
    h_s, h_d, h_c, lu, lc, wt_s, wt_d, wt_c = _prep(
        user_src_ids, user_dst_ids, cas_ids,
        user_src_timestamps, user_dst_timestamps, cas_timestamps,
        user_src_state, user_dst_state, cas_state,
        last_update_user, last_update_cas)
    weights = (
        W_ih_src.T, W_hh_src.T, b_ih_src.reshape(1, -1), b_hh_src.reshape(1, -1),
        W_ih_dst.T, W_hh_dst.T, b_ih_dst.reshape(1, -1), b_hh_dst.reshape(1, -1),
        W_ih_cas.T, W_hh_cas.T, b_ih_cas.reshape(1, -1), b_hh_cas.reshape(1, -1),
    )
    n_s, n_d, n_c = _gru(user_src_messages, h_s, user_dst_messages, h_d,
                         cas_messages, h_c, weights)
    out = _out_call(user_src_ids, user_dst_ids, cas_ids,
                    wt_s, wt_d, wt_c, n_s, n_d, n_c)
    return (out, lu, lc)

# --- scband reference (transcript-rebuilt; emitter-appended) ---
"""Pipeline reference for scband-sequence-state-updater-76897094468326 (READ-ONLY COPY).

The authoritative reference and input builder live on the scoring server;
editing this copy changes nothing except your own understanding.
"""

import jax, jax.numpy as jnp
import numpy as np

NU = 500000
NC = 200000
B = 16384
D = 64


def gru_cell(x, h, W_ih, W_hh, b_ih, b_hh):
    gi = x @ W_ih.T + b_ih
    gh = h @ W_hh.T + b_hh
    i_r, i_z, i_n = jnp.split(gi, 3, axis=1)
    h_r, h_z, h_n = jnp.split(gh, 3, axis=1)
    r = jax.nn.sigmoid(i_r + h_r)
    z = jax.nn.sigmoid(i_z + h_z)
    n = jnp.tanh(i_n + r * h_n)
    return (1.0 - z) * n + z * h


def setup_inputs(seed: int = 0):
    key = jax.random.key(seed)
    ks = [jax.random.fold_in(key, i) for i in range(40)]
    inp = {}
    inp['user_src_ids'] = jax.random.randint(ks[0], (B,), 0, NU)
    inp['user_dst_ids'] = jax.random.randint(ks[1], (B,), 0, NU)
    inp['cas_ids'] = jax.random.randint(ks[2], (B,), 0, NC)
    inp['user_src_messages'] = jax.random.normal(ks[3], (B, D), dtype=jnp.float32)
    inp['user_dst_messages'] = jax.random.normal(ks[4], (B, D), dtype=jnp.float32)
    inp['cas_messages'] = jax.random.normal(ks[5], (B, D), dtype=jnp.float32)
    inp['user_src_timestamps'] = jax.random.uniform(ks[6], (B,), dtype=jnp.float32)
    inp['user_dst_timestamps'] = jax.random.uniform(ks[7], (B,), dtype=jnp.float32)
    inp['cas_timestamps'] = jax.random.uniform(ks[8], (B,), dtype=jnp.float32)
    inp['user_src_state'] = 0.1 * jax.random.normal(ks[9], (NU, D), dtype=jnp.float32)
    inp['user_dst_state'] = 0.1 * jax.random.normal(ks[10], (NU, D), dtype=jnp.float32)
    inp['cas_state'] = 0.1 * jax.random.normal(ks[11], (NC, D), dtype=jnp.float32)
    inp['last_update_user'] = jnp.zeros((NU,), dtype=jnp.float32)
    inp['last_update_cas'] = jnp.zeros((NC,), dtype=jnp.float32)
    i = 12
    for tag in ['src', 'dst', 'cas']:
        inp['W_ih_' + tag] = 0.05 * jax.random.normal(ks[i], (3 * D, D), dtype=jnp.float32); i += 1
        inp['W_hh_' + tag] = 0.05 * jax.random.normal(ks[i], (3 * D, D), dtype=jnp.float32); i += 1
        inp['b_ih_' + tag] = 0.05 * jax.random.normal(ks[i], (3 * D,), dtype=jnp.float32); i += 1
        inp['b_hh_' + tag] = 0.05 * jax.random.normal(ks[i], (3 * D,), dtype=jnp.float32); i += 1
    return inp


def reference(user_src_ids, user_dst_ids, cas_ids, user_src_messages, user_dst_messages, cas_messages, user_src_timestamps, user_dst_timestamps, cas_timestamps, user_src_state, user_dst_state, cas_state, last_update_user, last_update_cas, W_ih_src, W_hh_src, b_ih_src, b_hh_src, W_ih_dst, W_hh_dst, b_ih_dst, b_hh_dst, W_ih_cas, W_hh_cas, b_ih_cas, b_hh_cas):
    # --- user 'src' state update ---
    lu = last_update_user
    last_src = jnp.take(lu, user_src_ids)
    lu = lu.at[user_src_ids].set(jnp.maximum(last_src, user_src_timestamps))
    h_src = jnp.take(user_src_state, user_src_ids, axis=0)
    new_src = gru_cell(user_src_messages, h_src, W_ih_src, W_hh_src, b_ih_src, b_hh_src)
    src_table = user_src_state.at[user_src_ids].set(new_src)
    out_src = jnp.take(src_table, user_src_ids, axis=0)
    # --- user 'dst' state update (shares last-update table with src) ---
    last_dst = jnp.take(lu, user_dst_ids)
    lu = lu.at[user_dst_ids].set(jnp.maximum(last_dst, user_dst_timestamps))
    h_dst = jnp.take(user_dst_state, user_dst_ids, axis=0)
    new_dst = gru_cell(user_dst_messages, h_dst, W_ih_dst, W_hh_dst, b_ih_dst, b_hh_dst)
    dst_table = user_dst_state.at[user_dst_ids].set(new_dst)
    out_dst = jnp.take(dst_table, user_dst_ids, axis=0)
    # --- cascade state update ---
    lc = last_update_cas.at[cas_ids].set(cas_timestamps)
    h_cas = jnp.take(cas_state, cas_ids, axis=0)
    new_cas = gru_cell(cas_messages, h_cas, W_ih_cas, W_hh_cas, b_ih_cas, b_hh_cas)
    cas_table = cas_state.at[cas_ids].set(new_cas)
    out_cas = jnp.take(cas_table, cas_ids, axis=0)
    out = jnp.stack([out_src, out_dst, out_cas], axis=0)
    return (out, lu, lc)

if __name__ == "__main__":
    import jax
    _d = setup_inputs()
    print(jax.jit(kernel)(*tuple(_d.values())))

</pallas_src>

<mosaic_0001>
#map = affine_map<(d0, d1) -> (0)>
#map1 = affine_map<(d0, d1) -> (0, 0)>
#map2 = affine_map<(d0, d1) -> (0, 0, 0)>
module attributes {stable_mosaic.version = 14 : i64} {
  func.func @_out_body(%arg0: i32, %arg1: i32, %arg2: memref<16384xi32, #tpu.memory_space<hbm>>, %arg3: memref<16384xi32, #tpu.memory_space<hbm>>, %arg4: memref<16384xi32, #tpu.memory_space<hbm>>, %arg5: memref<500000xi32, #tpu.memory_space<hbm>>, %arg6: memref<500000xi32, #tpu.memory_space<hbm>>, %arg7: memref<200000xi32, #tpu.memory_space<hbm>>, %arg8: memref<16384x64xf32, #tpu.memory_space<hbm>>, %arg9: memref<16384x64xf32, #tpu.memory_space<hbm>>, %arg10: memref<16384x64xf32, #tpu.memory_space<hbm>>, %arg11: memref<3x16384x64xf32, #tpu.memory_space<hbm>>, %arg12: memref<512xi32, #tpu.memory_space<vmem>>, %arg13: memref<512xi32, #tpu.memory_space<vmem>>, %arg14: memref<512x64xf32, #tpu.memory_space<vmem>>, %arg15: memref<!tpu.dma_semaphore, #tpu.memory_space<semaphore_mem>>) attributes {dimension_semantics = [#tpu.dimension_semantics<core_parallel>, #tpu.dimension_semantics<subcore_parallel>], iteration_bounds = array<i64: 2, 16>, scalar_prefetch = 0 : i64, scratch_operands = 4 : i64, tpu.core_type = #tpu.core_type<sc_vector_subcore>, window_params = [{transform_indices = #map}, {transform_indices = #map}, {transform_indices = #map}, {transform_indices = #map}, {transform_indices = #map}, {transform_indices = #map}, {transform_indices = #map1}, {transform_indices = #map1}, {transform_indices = #map1}, {transform_indices = #map2}]} {
    %mul3A = arith.constant 2 : i32
    %mul3A_0 = arith.muli %arg1, %mul3A : i32
    %add3A = arith.addi %mul3A_0, %arg0 : i32
    %mul3A_1 = arith.constant 512 : i32
    %mul3A_2 = arith.muli %add3A, %mul3A_1 : i32
    "tpu.region"() ({
      %run_scoped3A_33 = tpu.sem_alloc : memref<!tpu.dma_semaphore, #tpu.memory_space<semaphore_mem>>
      %dma_start3A_34 = tpu.memref_slice %arg2[%mul3A_2] : memref<16384xi32, #tpu.memory_space<hbm>> -> memref<512xi32, #tpu.memory_space<hbm>>
      %dma_start3A_35 = tpu.memref_slice %arg2[%mul3A_2] : memref<16384xi32, #tpu.memory_space<hbm>> -> memref<512xi32, #tpu.memory_space<hbm>>
      tpu.enqueue_dma source(%dma_start3A_35 : memref<512xi32, #tpu.memory_space<hbm>>) target(%arg12 : memref<512xi32, #tpu.memory_space<vmem>>) target_semaphore(%run_scoped3A_33 : memref<!tpu.dma_semaphore, #tpu.memory_space<semaphore_mem>>)
      %dma_wait3A_36 = tpu.memref_slice %arg2[%mul3A_2] : memref<16384xi32, #tpu.memory_space<hbm>> -> memref<512xi32, #tpu.memory_space<hbm>>
      %dma_wait3A_37 = tpu.memref_slice %arg2[%mul3A_2] : memref<16384xi32, #tpu.memory_space<hbm>> -> memref<512xi32, #tpu.memory_space<hbm>>
      tpu.wait_dma2 semaphore(%run_scoped3A_33 : memref<!tpu.dma_semaphore, #tpu.memory_space<semaphore_mem>>) src(%dma_wait3A_37 : memref<512xi32, #tpu.memory_space<hbm>>) dst(%arg12 : memref<512xi32, #tpu.memory_space<vmem>>)
      tpu.yield
    }) : () -> ()
    %dma_start3A = arith.constant 0 : i32
    %dma_start3A_3 = tpu.memref_slice %arg5[%dma_start3A] : memref<500000xi32, #tpu.memory_space<hbm>> -> memref<500000xi32, #tpu.memory_space<hbm>>
    tpu.enqueue_indirect_dma source(%dma_start3A_3 : memref<500000xi32, #tpu.memory_space<hbm>>) target(%arg13 : memref<512xi32, #tpu.memory_space<vmem>>) offsets(%arg12 : memref<512xi32, #tpu.memory_space<vmem>>) semaphore(%arg15 : memref<!tpu.dma_semaphore, #tpu.memory_space<semaphore_mem>>)
    %dma_wait3A = arith.constant 0 : i32
    %dma_wait3A_4 = tpu.memref_slice %arg5[%dma_wait3A] : memref<500000xi32, #tpu.memory_space<hbm>> -> memref<500000xi32, #tpu.memory_space<hbm>>
    tpu.wait_indirect_dma semaphore(%arg15 : memref<!tpu.dma_semaphore, #tpu.memory_space<semaphore_mem>>) src(%dma_wait3A_4 : memref<500000xi32, #tpu.memory_space<hbm>>) dst(%arg13 : memref<512xi32, #tpu.memory_space<vmem>>)
    %dma_start3A_5 = arith.constant 0 : i32
    %dma_start3A_6 = arith.constant 0 : i32
    %dma_start3A_7 = tpu.memref_slice %arg8[%dma_start3A_5, %dma_start3A_6] : memref<16384x64xf32, #tpu.memory_space<hbm>> -> memref<16384x64xf32, #tpu.memory_space<hbm>>
    tpu.enqueue_indirect_dma source(%dma_start3A_7 : memref<16384x64xf32, #tpu.memory_space<hbm>>) target(%arg14 : memref<512x64xf32, #tpu.memory_space<vmem>>) offsets(%arg13 : memref<512xi32, #tpu.memory_space<vmem>>) semaphore(%arg15 : memref<!tpu.dma_semaphore, #tpu.memory_space<semaphore_mem>>)
    %dma_wait3A_8 = arith.constant 0 : i32
    %dma_wait3A_9 = arith.constant 0 : i32
    %dma_wait3A_10 = tpu.memref_slice %arg8[%dma_wait3A_8, %dma_wait3A_9] : memref<16384x64xf32, #tpu.memory_space<hbm>> -> memref<16384x64xf32, #tpu.memory_space<hbm>>
    tpu.wait_indirect_dma semaphore(%arg15 : memref<!tpu.dma_semaphore, #tpu.memory_space<semaphore_mem>>) src(%dma_wait3A_10 : memref<16384x64xf32, #tpu.memory_space<hbm>>) dst(%arg14 : memref<512x64xf32, #tpu.memory_space<vmem>>)
    %run_scoped3A = arith.constant 0 : i32
    "tpu.region"() ({
      %run_scoped3A_33 = tpu.sem_alloc : memref<!tpu.dma_semaphore, #tpu.memory_space<semaphore_mem>>
      %dma_start3A_34 = arith.constant 0 : i32
      %dma_start3A_35 = arith.constant 0 : i32
      %dma_start3A_36 = tpu.memref_slice %arg11[%run_scoped3A, %dma_start3A_34, %dma_start3A_35] : memref<3x16384x64xf32, #tpu.memory_space<hbm>> -> memref<1x16384x64xf32, #tpu.memory_space<hbm>>
      %dma_start3A_37 = tpu.memref_squeeze %dma_start3A_36 : memref<1x16384x64xf32, #tpu.memory_space<hbm>> -> memref<16384x64xf32, #tpu.memory_space<hbm>>
      %dma_start3A_38 = arith.constant 0 : i32
      %dma_start3A_39 = tpu.memref_slice %dma_start3A_37[%mul3A_2, %dma_start3A_38] : memref<16384x64xf32, #tpu.memory_space<hbm>> -> memref<512x64xf32, #tpu.memory_space<hbm>>
      %dma_start3A_40 = arith.constant 0 : i32
      %dma_start3A_41 = arith.constant 0 : i32
      %dma_start3A_42 = tpu.memref_slice %arg11[%run_scoped3A, %dma_start3A_40, %dma_start3A_41] : memref<3x16384x64xf32, #tpu.memory_space<hbm>> -> memref<1x16384x64xf32, #tpu.memory_space<hbm>>
      %dma_start3A_43 = tpu.memref_squeeze %dma_start3A_42 : memref<1x16384x64xf32, #tpu.memory_space<hbm>> -> memref<16384x64xf32, #tpu.memory_space<hbm>>
      %dma_start3A_44 = arith.constant 0 : i32
      %dma_start3A_45 = tpu.memref_slice %dma_start3A_43[%mul3A_2, %dma_start3A_44] : memref<16384x64xf32, #tpu.memory_space<hbm>> -> memref<512x64xf32, #tpu.memory_space<hbm>>
      tpu.enqueue_dma source(%arg14 : memref<512x64xf32, #tpu.memory_space<vmem>>) target(%dma_start3A_45 : memref<512x64xf32, #tpu.memory_space<hbm>>) target_semaphore(%run_scoped3A_33 : memref<!tpu.dma_semaphore, #tpu.memory_space<semaphore_mem>>)
      %dma_wait3A_46 = arith.constant 0 : i32
      %dma_wait3A_47 = arith.constant 0 : i32
      %dma_wait3A_48 = tpu.memref_slice %arg11[%run_scoped3A, %dma_wait3A_46, %dma_wait3A_47] : memref<3x16384x64xf32, #tpu.memory_space<hbm>> -> memref<1x16384x64xf32, #tpu.memory_space<hbm>>
      %dma_wait3A_49 = tpu.memref_squeeze %dma_wait3A_48 : memref<1x16384x64xf32, #tpu.memory_space<hbm>> -> memref<16384x64xf32, #tpu.memory_space<hbm>>
      %dma_wait3A_50 = arith.constant 0 : i32
      %dma_wait3A_51 = tpu.memref_slice %dma_wait3A_49[%mul3A_2, %dma_wait3A_50] : memref<16384x64xf32, #tpu.memory_space<hbm>> -> memref<512x64xf32, #tpu.memory_space<hbm>>
      %dma_wait3A_52 = arith.constant 0 : i32
      %dma_wait3A_53 = arith.constant 0 : i32
      %dma_wait3A_54 = tpu.memref_slice %arg11[%run_scoped3A, %dma_wait3A_52, %dma_wait3A_53] : memref<3x16384x64xf32, #tpu.memory_space<hbm>> -> memref<1x16384x64xf32, #tpu.memory_space<hbm>>
      %dma_wait3A_55 = tpu.memref_squeeze %dma_wait3A_54 : memref<1x16384x64xf32, #tpu.memory_space<hbm>> -> memref<16384x64xf32, #tpu.memory_space<hbm>>
      %dma_wait3A_56 = arith.constant 0 : i32
      %dma_wait3A_57 = tpu.memref_slice %dma_wait3A_55[%mul3A_2, %dma_wait3A_56] : memref<16384x64xf32, #tpu.memory_space<hbm>> -> memref<512x64xf32, #tpu.memory_space<hbm>>
      tpu.wait_dma2 semaphore(%run_scoped3A_33 : memref<!tpu.dma_semaphore, #tpu.memory_space<semaphore_mem>>) src(%arg14 : memref<512x64xf32, #tpu.memory_space<vmem>>) dst(%dma_wait3A_57 : memref<512x64xf32, #tpu.memory_space<hbm>>)
      tpu.yield
    }) : () -> ()
    "tpu.region"() ({
      %run_scoped3A_33 = tpu.sem_alloc : memref<!tpu.dma_semaphore, #tpu.memory_space<semaphore_mem>>
      %dma_start3A_34 = tpu.memref_slice %arg3[%mul3A_2] : memref<16384xi32, #tpu.memory_space<hbm>> -> memref<512xi32, #tpu.memory_space<hbm>>
      %dma_start3A_35 = tpu.memref_slice %arg3[%mul3A_2] : memref<16384xi32, #tpu.memory_space<hbm>> -> memref<512xi32, #tpu.memory_space<hbm>>
      tpu.enqueue_dma source(%dma_start3A_35 : memref<512xi32, #tpu.memory_space<hbm>>) target(%arg12 : memref<512xi32, #tpu.memory_space<vmem>>) target_semaphore(%run_scoped3A_33 : memref<!tpu.dma_semaphore, #tpu.memory_space<semaphore_mem>>)
      %dma_wait3A_36 = tpu.memref_slice %arg3[%mul3A_2] : memref<16384xi32, #tpu.memory_space<hbm>> -> memref<512xi32, #tpu.memory_space<hbm>>
      %dma_wait3A_37 = tpu.memref_slice %arg3[%mul3A_2] : memref<16384xi32, #tpu.memory_space<hbm>> -> memref<512xi32, #tpu.memory_space<hbm>>
      tpu.wait_dma2 semaphore(%run_scoped3A_33 : memref<!tpu.dma_semaphore, #tpu.memory_space<semaphore_mem>>) src(%dma_wait3A_37 : memref<512xi32, #tpu.memory_space<hbm>>) dst(%arg12 : memref<512xi32, #tpu.memory_space<vmem>>)
      tpu.yield
    }) : () -> ()
    %dma_start3A_11 = arith.constant 0 : i32
    %dma_start3A_12 = tpu.memref_slice %arg6[%dma_start3A_11] : memref<500000xi32, #tpu.memory_space<hbm>> -> memref<500000xi32, #tpu.memory_space<hbm>>
    tpu.enqueue_indirect_dma source(%dma_start3A_12 : memref<500000xi32, #tpu.memory_space<hbm>>) target(%arg13 : memref<512xi32, #tpu.memory_space<vmem>>) offsets(%arg12 : memref<512xi32, #tpu.memory_space<vmem>>) semaphore(%arg15 : memref<!tpu.dma_semaphore, #tpu.memory_space<semaphore_mem>>)
    %dma_wait3A_13 = arith.constant 0 : i32
    %dma_wait3A_14 = tpu.memref_slice %arg6[%dma_wait3A_13] : memref<500000xi32, #tpu.memory_space<hbm>> -> memref<500000xi32, #tpu.memory_space<hbm>>
    tpu.wait_indirect_dma semaphore(%arg15 : memref<!tpu.dma_semaphore, #tpu.memory_space<semaphore_mem>>) src(%dma_wait3A_14 : memref<500000xi32, #tpu.memory_space<hbm>>) dst(%arg13 : memref<512xi32, #tpu.memory_space<vmem>>)
    %dma_start3A_15 = arith.constant 0 : i32
    %dma_start3A_16 = arith.constant 0 : i32
    %dma_start3A_17 = tpu.memref_slice %arg9[%dma_start3A_15, %dma_start3A_16] : memref<16384x64xf32, #tpu.memory_space<hbm>> -> memref<16384x64xf32, #tpu.memory_space<hbm>>
    tpu.enqueue_indirect_dma source(%dma_start3A_17 : memref<16384x64xf32, #tpu.memory_space<hbm>>) target(%arg14 : memref<512x64xf32, #tpu.memory_space<vmem>>) offsets(%arg13 : memref<512xi32, #tpu.memory_space<vmem>>) semaphore(%arg15 : memref<!tpu.dma_semaphore, #tpu.memory_space<semaphore_mem>>)
    %dma_wait3A_18 = arith.constant 0 : i32
    %dma_wait3A_19 = arith.constant 0 : i32
    %dma_wait3A_20 = tpu.memref_slice %arg9[%dma_wait3A_18, %dma_wait3A_19] : memref<16384x64xf32, #tpu.memory_space<hbm>> -> memref<16384x64xf32, #tpu.memory_space<hbm>>
    tpu.wait_indirect_dma semaphore(%arg15 : memref<!tpu.dma_semaphore, #tpu.memory_space<semaphore_mem>>) src(%dma_wait3A_20 : memref<16384x64xf32, #tpu.memory_space<hbm>>) dst(%arg14 : memref<512x64xf32, #tpu.memory_space<vmem>>)
    %run_scoped3A_21 = arith.constant 1 : i32
    "tpu.region"() ({
      %run_scoped3A_33 = tpu.sem_alloc : memref<!tpu.dma_semaphore, #tpu.memory_space<semaphore_mem>>
      %dma_start3A_34 = arith.constant 0 : i32
      %dma_start3A_35 = arith.constant 0 : i32
      %dma_start3A_36 = tpu.memref_slice %arg11[%run_scoped3A_21, %dma_start3A_34, %dma_start3A_35] : memref<3x16384x64xf32, #tpu.memory_space<hbm>> -> memref<1x16384x64xf32, #tpu.memory_space<hbm>>
      %dma_start3A_37 = tpu.memref_squeeze %dma_start3A_36 : memref<1x16384x64xf32, #tpu.memory_space<hbm>> -> memref<16384x64xf32, #tpu.memory_space<hbm>>
      %dma_start3A_38 = arith.constant 0 : i32
      %dma_start3A_39 = tpu.memref_slice %dma_start3A_37[%mul3A_2, %dma_start3A_38] : memref<16384x64xf32, #tpu.memory_space<hbm>> -> memref<512x64xf32, #tpu.memory_space<hbm>>
      %dma_start3A_40 = arith.constant 0 : i32
      %dma_start3A_41 = arith.constant 0 : i32
      %dma_start3A_42 = tpu.memref_slice %arg11[%run_scoped3A_21, %dma_start3A_40, %dma_start3A_41] : memref<3x16384x64xf32, #tpu.memory_space<hbm>> -> memref<1x16384x64xf32, #tpu.memory_space<hbm>>
      %dma_start3A_43 = tpu.memref_squeeze %dma_start3A_42 : memref<1x16384x64xf32, #tpu.memory_space<hbm>> -> memref<16384x64xf32, #tpu.memory_space<hbm>>
      %dma_start3A_44 = arith.constant 0 : i32
      %dma_start3A_45 = tpu.memref_slice %dma_start3A_43[%mul3A_2, %dma_start3A_44] : memref<16384x64xf32, #tpu.memory_space<hbm>> -> memref<512x64xf32, #tpu.memory_space<hbm>>
      tpu.enqueue_dma source(%arg14 : memref<512x64xf32, #tpu.memory_space<vmem>>) target(%dma_start3A_45 : memref<512x64xf32, #tpu.memory_space<hbm>>) target_semaphore(%run_scoped3A_33 : memref<!tpu.dma_semaphore, #tpu.memory_space<semaphore_mem>>)
      %dma_wait3A_46 = arith.constant 0 : i32
      %dma_wait3A_47 = arith.constant 0 : i32
      %dma_wait3A_48 = tpu.memref_slice %arg11[%run_scoped3A_21, %dma_wait3A_46, %dma_wait3A_47] : memref<3x16384x64xf32, #tpu.memory_space<hbm>> -> memref<1x16384x64xf32, #tpu.memory_space<hbm>>
      %dma_wait3A_49 = tpu.memref_squeeze %dma_wait3A_48 : memref<1x16384x64xf32, #tpu.memory_space<hbm>> -> memref<16384x64xf32, #tpu.memory_space<hbm>>
      %dma_wait3A_50 = arith.constant 0 : i32
      %dma_wait3A_51 = tpu.memref_slice %dma_wait3A_49[%mul3A_2, %dma_wait3A_50] : memref<16384x64xf32, #tpu.memory_space<hbm>> -> memref<512x64xf32, #tpu.memory_space<hbm>>
      %dma_wait3A_52 = arith.constant 0 : i32
      %dma_wait3A_53 = arith.constant 0 : i32
      %dma_wait3A_54 = tpu.memref_slice %arg11[%run_scoped3A_21, %dma_wait3A_52, %dma_wait3A_53] : memref<3x16384x64xf32, #tpu.memory_space<hbm>> -> memref<1x16384x64xf32, #tpu.memory_space<hbm>>
      %dma_wait3A_55 = tpu.memref_squeeze %dma_wait3A_54 : memref<1x16384x64xf32, #tpu.memory_space<hbm>> -> memref<16384x64xf32, #tpu.memory_space<hbm>>
      %dma_wait3A_56 = arith.constant 0 : i32
      %dma_wait3A_57 = tpu.memref_slice %dma_wait3A_55[%mul3A_2, %dma_wait3A_56] : memref<16384x64xf32, #tpu.memory_space<hbm>> -> memref<512x64xf32, #tpu.memory_space<hbm>>
      tpu.wait_dma2 semaphore(%run_scoped3A_33 : memref<!tpu.dma_semaphore, #tpu.memory_space<semaphore_mem>>) src(%arg14 : memref<512x64xf32, #tpu.memory_space<vmem>>) dst(%dma_wait3A_57 : memref<512x64xf32, #tpu.memory_space<hbm>>)
      tpu.yield
    }) : () -> ()
    "tpu.region"() ({
      %run_scoped3A_33 = tpu.sem_alloc : memref<!tpu.dma_semaphore, #tpu.memory_space<semaphore_mem>>
      %dma_start3A_34 = tpu.memref_slice %arg4[%mul3A_2] : memref<16384xi32, #tpu.memory_space<hbm>> -> memref<512xi32, #tpu.memory_space<hbm>>
      %dma_start3A_35 = tpu.memref_slice %arg4[%mul3A_2] : memref<16384xi32, #tpu.memory_space<hbm>> -> memref<512xi32, #tpu.memory_space<hbm>>
      tpu.enqueue_dma source(%dma_start3A_35 : memref<512xi32, #tpu.memory_space<hbm>>) target(%arg12 : memref<512xi32, #tpu.memory_space<vmem>>) target_semaphore(%run_scoped3A_33 : memref<!tpu.dma_semaphore, #tpu.memory_space<semaphore_mem>>)
      %dma_wait3A_36 = tpu.memref_slice %arg4[%mul3A_2] : memref<16384xi32, #tpu.memory_space<hbm>> -> memref<512xi32, #tpu.memory_space<hbm>>
      %dma_wait3A_37 = tpu.memref_slice %arg4[%mul3A_2] : memref<16384xi32, #tpu.memory_space<hbm>> -> memref<512xi32, #tpu.memory_space<hbm>>
      tpu.wait_dma2 semaphore(%run_scoped3A_33 : memref<!tpu.dma_semaphore, #tpu.memory_space<semaphore_mem>>) src(%dma_wait3A_37 : memref<512xi32, #tpu.memory_space<hbm>>) dst(%arg12 : memref<512xi32, #tpu.memory_space<vmem>>)
      tpu.yield
    }) : () -> ()
    %dma_start3A_22 = arith.constant 0 : i32
    %dma_start3A_23 = tpu.memref_slice %arg7[%dma_start3A_22] : memref<200000xi32, #tpu.memory_space<hbm>> -> memref<200000xi32, #tpu.memory_space<hbm>>
    tpu.enqueue_indirect_dma source(%dma_start3A_23 : memref<200000xi32, #tpu.memory_space<hbm>>) target(%arg13 : memref<512xi32, #tpu.memory_space<vmem>>) offsets(%arg12 : memref<512xi32, #tpu.memory_space<vmem>>) semaphore(%arg15 : memref<!tpu.dma_semaphore, #tpu.memory_space<semaphore_mem>>)
    %dma_wait3A_24 = arith.constant 0 : i32
    %dma_wait3A_25 = tpu.memref_slice %arg7[%dma_wait3A_24] : memref<200000xi32, #tpu.memory_space<hbm>> -> memref<200000xi32, #tpu.memory_space<hbm>>
    tpu.wait_indirect_dma semaphore(%arg15 : memref<!tpu.dma_semaphore, #tpu.memory_space<semaphore_mem>>) src(%dma_wait3A_25 : memref<200000xi32, #tpu.memory_space<hbm>>) dst(%arg13 : memref<512xi32, #tpu.memory_space<vmem>>)
    %dma_start3A_26 = arith.constant 0 : i32
    %dma_start3A_27 = arith.constant 0 : i32
    %dma_start3A_28 = tpu.memref_slice %arg10[%dma_start3A_26, %dma_start3A_27] : memref<16384x64xf32, #tpu.memory_space<hbm>> -> memref<16384x64xf32, #tpu.memory_space<hbm>>
    tpu.enqueue_indirect_dma source(%dma_start3A_28 : memref<16384x64xf32, #tpu.memory_space<hbm>>) target(%arg14 : memref<512x64xf32, #tpu.memory_space<vmem>>) offsets(%arg13 : memref<512xi32, #tpu.memory_space<vmem>>) semaphore(%arg15 : memref<!tpu.dma_semaphore, #tpu.memory_space<semaphore_mem>>)
    %dma_wait3A_29 = arith.constant 0 : i32
    %dma_wait3A_30 = arith.constant 0 : i32
    %dma_wait3A_31 = tpu.memref_slice %arg10[%dma_wait3A_29, %dma_wait3A_30] : memref<16384x64xf32, #tpu.memory_space<hbm>> -> memref<16384x64xf32, #tpu.memory_space<hbm>>
    tpu.wait_indirect_dma semaphore(%arg15 : memref<!tpu.dma_semaphore, #tpu.memory_space<semaphore_mem>>) src(%dma_wait3A_31 : memref<16384x64xf32, #tpu.memory_space<hbm>>) dst(%arg14 : memref<512x64xf32, #tpu.memory_space<vmem>>)
    %run_scoped3A_32 = arith.constant 2 : i32
    "tpu.region"() ({
      %run_scoped3A_33 = tpu.sem_alloc : memref<!tpu.dma_semaphore, #tpu.memory_space<semaphore_mem>>
      %dma_start3A_34 = arith.constant 0 : i32
      %dma_start3A_35 = arith.constant 0 : i32
      %dma_start3A_36 = tpu.memref_slice %arg11[%run_scoped3A_32, %dma_start3A_34, %dma_start3A_35] : memref<3x16384x64xf32, #tpu.memory_space<hbm>> -> memref<1x16384x64xf32, #tpu.memory_space<hbm>>
      %dma_start3A_37 = tpu.memref_squeeze %dma_start3A_36 : memref<1x16384x64xf32, #tpu.memory_space<hbm>> -> memref<16384x64xf32, #tpu.memory_space<hbm>>
      %dma_start3A_38 = arith.constant 0 : i32
      %dma_start3A_39 = tpu.memref_slice %dma_start3A_37[%mul3A_2, %dma_start3A_38] : memref<16384x64xf32, #tpu.memory_space<hbm>> -> memref<512x64xf32, #tpu.memory_space<hbm>>
      %dma_start3A_40 = arith.constant 0 : i32
      %dma_start3A_41 = arith.constant 0 : i32
      %dma_start3A_42 = tpu.memref_slice %arg11[%run_scoped3A_32, %dma_start3A_40, %dma_start3A_41] : memref<3x16384x64xf32, #tpu.memory_space<hbm>> -> memref<1x16384x64xf32, #tpu.memory_space<hbm>>
      %dma_start3A_43 = tpu.memref_squeeze %dma_start3A_42 : memref<1x16384x64xf32, #tpu.memory_space<hbm>> -> memref<16384x64xf32, #tpu.memory_space<hbm>>
      %dma_start3A_44 = arith.constant 0 : i32
      %dma_start3A_45 = tpu.memref_slice %dma_start3A_43[%mul3A_2, %dma_start3A_44] : memref<16384x64xf32, #tpu.memory_space<hbm>> -> memref<512x64xf32, #tpu.memory_space<hbm>>
      tpu.enqueue_dma source(%arg14 : memref<512x64xf32, #tpu.memory_space<vmem>>) target(%dma_start3A_45 : memref<512x64xf32, #tpu.memory_space<hbm>>) target_semaphore(%run_scoped3A_33 : memref<!tpu.dma_semaphore, #tpu.memory_space<semaphore_mem>>)
      %dma_wait3A_46 = arith.constant 0 : i32
      %dma_wait3A_47 = arith.constant 0 : i32
      %dma_wait3A_48 = tpu.memref_slice %arg11[%run_scoped3A_32, %dma_wait3A_46, %dma_wait3A_47] : memref<3x16384x64xf32, #tpu.memory_space<hbm>> -> memref<1x16384x64xf32, #tpu.memory_space<hbm>>
      %dma_wait3A_49 = tpu.memref_squeeze %dma_wait3A_48 : memref<1x16384x64xf32, #tpu.memory_space<hbm>> -> memref<16384x64xf32, #tpu.memory_space<hbm>>
      %dma_wait3A_50 = arith.constant 0 : i32
      %dma_wait3A_51 = tpu.memref_slice %dma_wait3A_49[%mul3A_2, %dma_wait3A_50] : memref<16384x64xf32, #tpu.memory_space<hbm>> -> memref<512x64xf32, #tpu.memory_space<hbm>>
      %dma_wait3A_52 = arith.constant 0 : i32
      %dma_wait3A_53 = arith.constant 0 : i32
      %dma_wait3A_54 = tpu.memref_slice %arg11[%run_scoped3A_32, %dma_wait3A_52, %dma_wait3A_53] : memref<3x16384x64xf32, #tpu.memory_space<hbm>> -> memref<1x16384x64xf32, #tpu.memory_space<hbm>>
      %dma_wait3A_55 = tpu.memref_squeeze %dma_wait3A_54 : memref<1x16384x64xf32, #tpu.memory_space<hbm>> -> memref<16384x64xf32, #tpu.memory_space<hbm>>
      %dma_wait3A_56 = arith.constant 0 : i32
      %dma_wait3A_57 = tpu.memref_slice %dma_wait3A_55[%mul3A_2, %dma_wait3A_56] : memref<16384x64xf32, #tpu.memory_space<hbm>> -> memref<512x64xf32, #tpu.memory_space<hbm>>
      tpu.wait_dma2 semaphore(%run_scoped3A_33 : memref<!tpu.dma_semaphore, #tpu.memory_space<semaphore_mem>>) src(%arg14 : memref<512x64xf32, #tpu.memory_space<vmem>>) dst(%dma_wait3A_57 : memref<512x64xf32, #tpu.memory_space<hbm>>)
      tpu.yield
    }) : () -> ()
    return
  }
}

#map = affine_map<(d0, d1) -> (0)>
#map1 = affine_map<(d0, d1) -> (0, 0)>
module attributes {stable_mosaic.version = 14 : i64} {
  func.func @_prep_body(%arg0: i32, %arg1: i32, %arg2: memref<16384xi32, #tpu.memory_space<hbm>>, %arg3: memref<16384xi32, #tpu.memory_space<hbm>>, %arg4: memref<16384xi32, #tpu.memory_space<hbm>>, %arg5: memref<16384xf32, #tpu.memory_space<hbm>>, %arg6: memref<16384xf32, #tpu.memory_space<hbm>>, %arg7: memref<16384xf32, #tpu.memory_space<hbm>>, %arg8: memref<500000x64xf32, #tpu.memory_space<hbm>>, %arg9: memref<500000x64xf32, #tpu.memory_space<hbm>>, %arg10: memref<200000x64xf32, #tpu.memory_space<hbm>>, %arg11: memref<500000xf32, #tpu.memory_space<hbm>>, %arg12: memref<200000xf32, #tpu.memory_space<hbm>>, %arg13: memref<16384x64xf32, #tpu.memory_space<hbm>>, %arg14: memref<16384x64xf32, #tpu.memory_space<hbm>>, %arg15: memref<16384x64xf32, #tpu.memory_space<hbm>>, %arg16: memref<500000xf32, #tpu.memory_space<hbm>>, %arg17: memref<200000xf32, #tpu.memory_space<hbm>>, %arg18: memref<500000xi32, #tpu.memory_space<hbm>>, %arg19: memref<500000xi32, #tpu.memory_space<hbm>>, %arg20: memref<200000xi32, #tpu.memory_space<hbm>>, %arg21: memref<512xi32, #tpu.memory_space<vmem>>, %arg22: memref<512x64xf32, #tpu.memory_space<vmem>>, %arg23: memref<15904xf32, #tpu.memory_space<vmem>>, %arg24: memref<15904xf32, #tpu.memory_space<vmem>>, %arg25: memref<15904xi32, #tpu.memory_space<vmem>>, %arg26: memref<6560xf32, #tpu.memory_space<vmem>>, %arg27: memref<6560xi32, #tpu.memory_space<vmem>>, %arg28: memref<2048xi32, #tpu.memory_space<vmem>>, %arg29: memref<2048xf32, #tpu.memory_space<vmem>>, %arg30: memref<32xi32, #tpu.memory_space<vmem>>, %arg31: memref<!tpu.dma_semaphore, #tpu.memory_space<semaphore_mem>>) attributes {dimension_semantics = [#tpu.dimension_semantics<core_parallel>, #tpu.dimension_semantics<subcore_parallel>], iteration_bounds = array<i64: 2, 16>, scalar_prefetch = 0 : i64, scratch_operands = 11 : i64, tpu.core_type = #tpu.core_type<sc_vector_subcore>, window_params = [{transform_indices = #map}, {transform_indices = #map}, {transform_indices = #map}, {transform_indices = #map}, {transform_indices = #map}, {transform_indices = #map}, {transform_indices = #map1}, {transform_indices = #map1}, {transform_indices = #map1}, {transform_indices = #map}, {transform_indices = #map}, {transform_indices = #map1}, {transform_indices = #map1}, {transform_indices = #map1}, {transform_indices = #map}, {transform_indices = #map}, {transform_indices = #map}, {transform_indices = #map}, {transform_indices = #map}]} {
    %mul3A = arith.constant 2 : i32
    %mul3A_0 = arith.muli %arg1, %mul3A : i32
    %add3A = arith.addi %mul3A_0, %arg0 : i32
    %eq3A = arith.constant 31 : i32
    %eq3A_1 = arith.cmpi eq, %add3A, %eq3A : i32
    %iota3A = tpu.iota {dimensions = array<i32: 0>} : vector<16xi32>
    %broadcast_in_dim3A = arith.constant -1 : i32
    %broadcast_in_dim3A_2 = vector.broadcast %broadcast_in_dim3A : i32 to vector<16xi32>
    %swap3A = arith.constant 16 : index
    %swap3A_3 = tpu.vector_load %arg30[%swap3A] {strides = array<i32>} : memref<32xi32, #tpu.memory_space<vmem>>, vector<16xi32>,
    tpu.vector_store %arg30[%swap3A], %broadcast_in_dim3A_2 {strides = array<i32>} : memref<32xi32, #tpu.memory_space<vmem>>, vector<16xi32>,
    %mul3A_4 = arith.constant 512 : i32
    %mul3A_5 = arith.muli %add3A, %mul3A_4 : i32
    "tpu.region"() ({
      %run_scoped3A = tpu.sem_alloc : memref<!tpu.dma_semaphore, #tpu.memory_space<semaphore_mem>>
      %dma_start3A_88 = tpu.memref_slice %arg2[%mul3A_5] : memref<16384xi32, #tpu.memory_space<hbm>> -> memref<512xi32, #tpu.memory_space<hbm>>
      %dma_start3A_89 = tpu.memref_slice %arg2[%mul3A_5] : memref<16384xi32, #tpu.memory_space<hbm>> -> memref<512xi32, #tpu.memory_space<hbm>>
      tpu.enqueue_dma source(%dma_start3A_89 : memref<512xi32, #tpu.memory_space<hbm>>) target(%arg21 : memref<512xi32, #tpu.memory_space<vmem>>) target_semaphore(%run_scoped3A : memref<!tpu.dma_semaphore, #tpu.memory_space<semaphore_mem>>)
      %dma_wait3A_90 = tpu.memref_slice %arg2[%mul3A_5] : memref<16384xi32, #tpu.memory_space<hbm>> -> memref<512xi32, #tpu.memory_space<hbm>>
      %dma_wait3A_91 = tpu.memref_slice %arg2[%mul3A_5] : memref<16384xi32, #tpu.memory_space<hbm>> -> memref<512xi32, #tpu.memory_space<hbm>>
      tpu.wait_dma2 semaphore(%run_scoped3A : memref<!tpu.dma_semaphore, #tpu.memory_space<semaphore_mem>>) src(%dma_wait3A_91 : memref<512xi32, #tpu.memory_space<hbm>>) dst(%arg21 : memref<512xi32, #tpu.memory_space<vmem>>)
      tpu.yield
    }) : () -> ()
    %dma_start3A = arith.constant 0 : i32
    %dma_start3A_6 = arith.constant 0 : i32
    %dma_start3A_7 = tpu.memref_slice %arg8[%dma_start3A, %dma_start3A_6] : memref<500000x64xf32, #tpu.memory_space<hbm>> -> memref<500000x64xf32, #tpu.memory_space<hbm>>
    tpu.enqueue_indirect_dma source(%dma_start3A_7 : memref<500000x64xf32, #tpu.memory_space<hbm>>) target(%arg22 : memref<512x64xf32, #tpu.memory_space<vmem>>) offsets(%arg21 : memref<512xi32, #tpu.memory_space<vmem>>) semaphore(%arg31 : memref<!tpu.dma_semaphore, #tpu.memory_space<semaphore_mem>>)
    %dma_wait3A = arith.constant 0 : i32
    %dma_wait3A_8 = arith.constant 0 : i32
    %dma_wait3A_9 = tpu.memref_slice %arg8[%dma_wait3A, %dma_wait3A_8] : memref<500000x64xf32, #tpu.memory_space<hbm>> -> memref<500000x64xf32, #tpu.memory_space<hbm>>
    tpu.wait_indirect_dma semaphore(%arg31 : memref<!tpu.dma_semaphore, #tpu.memory_space<semaphore_mem>>) src(%dma_wait3A_9 : memref<500000x64xf32, #tpu.memory_space<hbm>>) dst(%arg22 : memref<512x64xf32, #tpu.memory_space<vmem>>)
    "tpu.region"() ({
      %run_scoped3A = tpu.sem_alloc : memref<!tpu.dma_semaphore, #tpu.memory_space<semaphore_mem>>
      %dma_start3A_88 = arith.constant 0 : i32
      %dma_start3A_89 = tpu.memref_slice %arg13[%mul3A_5, %dma_start3A_88] : memref<16384x64xf32, #tpu.memory_space<hbm>> -> memref<512x64xf32, #tpu.memory_space<hbm>>
      %dma_start3A_90 = arith.constant 0 : i32
      %dma_start3A_91 = tpu.memref_slice %arg13[%mul3A_5, %dma_start3A_90] : memref<16384x64xf32, #tpu.memory_space<hbm>> -> memref<512x64xf32, #tpu.memory_space<hbm>>
      tpu.enqueue_dma source(%arg22 : memref<512x64xf32, #tpu.memory_space<vmem>>) target(%dma_start3A_91 : memref<512x64xf32, #tpu.memory_space<hbm>>) target_semaphore(%run_scoped3A : memref<!tpu.dma_semaphore, #tpu.memory_space<semaphore_mem>>)
      %dma_wait3A_92 = arith.constant 0 : i32
      %dma_wait3A_93 = tpu.memref_slice %arg13[%mul3A_5, %dma_wait3A_92] : memref<16384x64xf32, #tpu.memory_space<hbm>> -> memref<512x64xf32, #tpu.memory_space<hbm>>
      %dma_wait3A_94 = arith.constant 0 : i32
      %dma_wait3A_95 = tpu.memref_slice %arg13[%mul3A_5, %dma_wait3A_94] : memref<16384x64xf32, #tpu.memory_space<hbm>> -> memref<512x64xf32, #tpu.memory_space<hbm>>
      tpu.wait_dma2 semaphore(%run_scoped3A : memref<!tpu.dma_semaphore, #tpu.memory_space<semaphore_mem>>) src(%arg22 : memref<512x64xf32, #tpu.memory_space<vmem>>) dst(%dma_wait3A_95 : memref<512x64xf32, #tpu.memory_space<hbm>>)
      tpu.yield
    }) : () -> ()
    "tpu.region"() ({
      %run_scoped3A = tpu.sem_alloc : memref<!tpu.dma_semaphore, #tpu.memory_space<semaphore_mem>>
      %dma_start3A_88 = tpu.memref_slice %arg3[%mul3A_5] : memref<16384xi32, #tpu.memory_space<hbm>> -> memref<512xi32, #tpu.memory_space<hbm>>
      %dma_start3A_89 = tpu.memref_slice %arg3[%mul3A_5] : memref<16384xi32, #tpu.memory_space<hbm>> -> memref<512xi32, #tpu.memory_space<hbm>>
      tpu.enqueue_dma source(%dma_start3A_89 : memref<512xi32, #tpu.memory_space<hbm>>) target(%arg21 : memref<512xi32, #tpu.memory_space<vmem>>) target_semaphore(%run_scoped3A : memref<!tpu.dma_semaphore, #tpu.memory_space<semaphore_mem>>)
      %dma_wait3A_90 = tpu.memref_slice %arg3[%mul3A_5] : memref<16384xi32, #tpu.memory_space<hbm>> -> memref<512xi32, #tpu.memory_space<hbm>>
      %dma_wait3A_91 = tpu.memref_slice %arg3[%mul3A_5] : memref<16384xi32, #tpu.memory_space<hbm>> -> memref<512xi32, #tpu.memory_space<hbm>>
      tpu.wait_dma2 semaphore(%run_scoped3A : memref<!tpu.dma_semaphore, #tpu.memory_space<semaphore_mem>>) src(%dma_wait3A_91 : memref<512xi32, #tpu.memory_space<hbm>>) dst(%arg21 : memref<512xi32, #tpu.memory_space<vmem>>)
      tpu.yield
    }) : () -> ()
    %dma_start3A_10 = arith.constant 0 : i32
    %dma_start3A_11 = arith.constant 0 : i32
    %dma_start3A_12 = tpu.memref_slice %arg9[%dma_start3A_10, %dma_start3A_11] : memref<500000x64xf32, #tpu.memory_space<hbm>> -> memref<500000x64xf32, #tpu.memory_space<hbm>>
    tpu.enqueue_indirect_dma source(%dma_start3A_12 : memref<500000x64xf32, #tpu.memory_space<hbm>>) target(%arg22 : memref<512x64xf32, #tpu.memory_space<vmem>>) offsets(%arg21 : memref<512xi32, #tpu.memory_space<vmem>>) semaphore(%arg31 : memref<!tpu.dma_semaphore, #tpu.memory_space<semaphore_mem>>)
    %dma_wait3A_13 = arith.constant 0 : i32
    %dma_wait3A_14 = arith.constant 0 : i32
    %dma_wait3A_15 = tpu.memref_slice %arg9[%dma_wait3A_13, %dma_wait3A_14] : memref<500000x64xf32, #tpu.memory_space<hbm>> -> memref<500000x64xf32, #tpu.memory_space<hbm>>
    tpu.wait_indirect_dma semaphore(%arg31 : memref<!tpu.dma_semaphore, #tpu.memory_space<semaphore_mem>>) src(%dma_wait3A_15 : memref<500000x64xf32, #tpu.memory_space<hbm>>) dst(%arg22 : memref<512x64xf32, #tpu.memory_space<vmem>>)
    "tpu.region"() ({
      %run_scoped3A = tpu.sem_alloc : memref<!tpu.dma_semaphore, #tpu.memory_space<semaphore_mem>>
      %dma_start3A_88 = arith.constant 0 : i32
      %dma_start3A_89 = tpu.memref_slice %arg14[%mul3A_5, %dma_start3A_88] : memref<16384x64xf32, #tpu.memory_space<hbm>> -> memref<512x64xf32, #tpu.memory_space<hbm>>
      %dma_start3A_90 = arith.constant 0 : i32
      %dma_start3A_91 = tpu.memref_slice %arg14[%mul3A_5, %dma_start3A_90] : memref<16384x64xf32, #tpu.memory_space<hbm>> -> memref<512x64xf32, #tpu.memory_space<hbm>>
      tpu.enqueue_dma source(%arg22 : memref<512x64xf32, #tpu.memory_space<vmem>>) target(%dma_start3A_91 : memref<512x64xf32, #tpu.memory_space<hbm>>) target_semaphore(%run_scoped3A : memref<!tpu.dma_semaphore, #tpu.memory_space<semaphore_mem>>)
      %dma_wait3A_92 = arith.constant 0 : i32
      %dma_wait3A_93 = tpu.memref_slice %arg14[%mul3A_5, %dma_wait3A_92] : memref<16384x64xf32, #tpu.memory_space<hbm>> -> memref<512x64xf32, #tpu.memory_space<hbm>>
      %dma_wait3A_94 = arith.constant 0 : i32
      %dma_wait3A_95 = tpu.memref_slice %arg14[%mul3A_5, %dma_wait3A_94] : memref<16384x64xf32, #tpu.memory_space<hbm>> -> memref<512x64xf32, #tpu.memory_space<hbm>>
      tpu.wait_dma2 semaphore(%run_scoped3A : memref<!tpu.dma_semaphore, #tpu.memory_space<semaphore_mem>>) src(%arg22 : memref<512x64xf32, #tpu.memory_space<vmem>>) dst(%dma_wait3A_95 : memref<512x64xf32, #tpu.memory_space<hbm>>)
      tpu.yield
    }) : () -> ()
    "tpu.region"() ({
      %run_scoped3A = tpu.sem_alloc : memref<!tpu.dma_semaphore, #tpu.memory_space<semaphore_mem>>
      %dma_start3A_88 = tpu.memref_slice %arg4[%mul3A_5] : memref<16384xi32, #tpu.memory_space<hbm>> -> memref<512xi32, #tpu.memory_space<hbm>>
      %dma_start3A_89 = tpu.memref_slice %arg4[%mul3A_5] : memref<16384xi32, #tpu.memory_space<hbm>> -> memref<512xi32, #tpu.memory_space<hbm>>
      tpu.enqueue_dma source(%dma_start3A_89 : memref<512xi32, #tpu.memory_space<hbm>>) target(%arg21 : memref<512xi32, #tpu.memory_space<vmem>>) target_semaphore(%run_scoped3A : memref<!tpu.dma_semaphore, #tpu.memory_space<semaphore_mem>>)
      %dma_wait3A_90 = tpu.memref_slice %arg4[%mul3A_5] : memref<16384xi32, #tpu.memory_space<hbm>> -> memref<512xi32, #tpu.memory_space<hbm>>
      %dma_wait3A_91 = tpu.memref_slice %arg4[%mul3A_5] : memref<16384xi32, #tpu.memory_space<hbm>> -> memref<512xi32, #tpu.memory_space<hbm>>
      tpu.wait_dma2 semaphore(%run_scoped3A : memref<!tpu.dma_semaphore, #tpu.memory_space<semaphore_mem>>) src(%dma_wait3A_91 : memref<512xi32, #tpu.memory_space<hbm>>) dst(%arg21 : memref<512xi32, #tpu.memory_space<vmem>>)
      tpu.yield
    }) : () -> ()
    %dma_start3A_16 = arith.constant 0 : i32
    %dma_start3A_17 = arith.constant 0 : i32
    %dma_start3A_18 = tpu.memref_slice %arg10[%dma_start3A_16, %dma_start3A_17] : memref<200000x64xf32, #tpu.memory_space<hbm>> -> memref<200000x64xf32, #tpu.memory_space<hbm>>
    tpu.enqueue_indirect_dma source(%dma_start3A_18 : memref<200000x64xf32, #tpu.memory_space<hbm>>) target(%arg22 : memref<512x64xf32, #tpu.memory_space<vmem>>) offsets(%arg21 : memref<512xi32, #tpu.memory_space<vmem>>) semaphore(%arg31 : memref<!tpu.dma_semaphore, #tpu.memory_space<semaphore_mem>>)
    %dma_wait3A_19 = arith.constant 0 : i32
    %dma_wait3A_20 = arith.constant 0 : i32
    %dma_wait3A_21 = tpu.memref_slice %arg10[%dma_wait3A_19, %dma_wait3A_20] : memref<200000x64xf32, #tpu.memory_space<hbm>> -> memref<200000x64xf32, #tpu.memory_space<hbm>>
    tpu.wait_indirect_dma semaphore(%arg31 : memref<!tpu.dma_semaphore, #tpu.memory_space<semaphore_mem>>) src(%dma_wait3A_21 : memref<200000x64xf32, #tpu.memory_space<hbm>>) dst(%arg22 : memref<512x64xf32, #tpu.memory_space<vmem>>)
    "tpu.region"() ({
      %run_scoped3A = tpu.sem_alloc : memref<!tpu.dma_semaphore, #tpu.memory_space<semaphore_mem>>
      %dma_start3A_88 = arith.constant 0 : i32
      %dma_start3A_89 = tpu.memref_slice %arg15[%mul3A_5, %dma_start3A_88] : memref<16384x64xf32, #tpu.memory_space<hbm>> -> memref<512x64xf32, #tpu.memory_space<hbm>>
      %dma_start3A_90 = arith.constant 0 : i32
      %dma_start3A_91 = tpu.memref_slice %arg15[%mul3A_5, %dma_start3A_90] : memref<16384x64xf32, #tpu.memory_space<hbm>> -> memref<512x64xf32, #tpu.memory_space<hbm>>
      tpu.enqueue_dma source(%arg22 : memref<512x64xf32, #tpu.memory_space<vmem>>) target(%dma_start3A_91 : memref<512x64xf32, #tpu.memory_space<hbm>>) target_semaphore(%run_scoped3A : memref<!tpu.dma_semaphore, #tpu.memory_space<semaphore_mem>>)
      %dma_wait3A_92 = arith.constant 0 : i32
      %dma_wait3A_93 = tpu.memref_slice %arg15[%mul3A_5, %dma_wait3A_92] : memref<16384x64xf32, #tpu.memory_space<hbm>> -> memref<512x64xf32, #tpu.memory_space<hbm>>
      %dma_wait3A_94 = arith.constant 0 : i32
      %dma_wait3A_95 = tpu.memref_slice %arg15[%mul3A_5, %dma_wait3A_94] : memref<16384x64xf32, #tpu.memory_space<hbm>> -> memref<512x64xf32, #tpu.memory_space<hbm>>
      tpu.wait_dma2 semaphore(%run_scoped3A : memref<!tpu.dma_semaphore, #tpu.memory_space<semaphore_mem>>) src(%arg22 : memref<512x64xf32, #tpu.memory_space<vmem>>) dst(%dma_wait3A_95 : memref<512x64xf32, #tpu.memory_space<hbm>>)
      tpu.yield
    }) : () -> ()
    %mul3A_22 = arith.constant 15616 : i32
    %mul3A_23 = arith.muli %add3A, %mul3A_22 : i32
    %add3A_24 = arith.constant 15616 : i32
    %add3A_25 = arith.addi %mul3A_23, %add3A_24 : i32
    %jit3A = arith.constant 288 : i32
    %jit3A_26 = arith.constant 0 : i32
    %select_n3A = arith.select %eq3A_1, %jit3A, %jit3A_26 : i32
    %add3A_27 = arith.addi %add3A_25, %select_n3A : i32
    "tpu.region"() ({
      %run_scoped3A = tpu.sem_alloc : memref<!tpu.dma_semaphore, #tpu.memory_space<semaphore_mem>>
      %dma_start3A_88 = tpu.memref_slice %arg11[%mul3A_23] : memref<500000xf32, #tpu.memory_space<hbm>> -> memref<15904xf32, #tpu.memory_space<hbm>>
      %dma_start3A_89 = tpu.memref_slice %arg11[%mul3A_23] : memref<500000xf32, #tpu.memory_space<hbm>> -> memref<15904xf32, #tpu.memory_space<hbm>>
      tpu.enqueue_dma source(%dma_start3A_89 : memref<15904xf32, #tpu.memory_space<hbm>>) target(%arg23 : memref<15904xf32, #tpu.memory_space<vmem>>) target_semaphore(%run_scoped3A : memref<!tpu.dma_semaphore, #tpu.memory_space<semaphore_mem>>)
      %dma_wait3A_90 = tpu.memref_slice %arg11[%mul3A_23] : memref<500000xf32, #tpu.memory_space<hbm>> -> memref<15904xf32, #tpu.memory_space<hbm>>
      %dma_wait3A_91 = tpu.memref_slice %arg11[%mul3A_23] : memref<500000xf32, #tpu.memory_space<hbm>> -> memref<15904xf32, #tpu.memory_space<hbm>>
      tpu.wait_dma2 semaphore(%run_scoped3A : memref<!tpu.dma_semaphore, #tpu.memory_space<semaphore_mem>>) src(%dma_wait3A_91 : memref<15904xf32, #tpu.memory_space<hbm>>) dst(%arg23 : memref<15904xf32, #tpu.memory_space<vmem>>)
      tpu.yield
    }) : () -> ()
    %scan3A = arith.constant 0 : i32
    %scan3A_28 = arith.constant 0 : i32
    %scan3A_29 = arith.constant 994 : i32
    %scan3A_30 = arith.addi %scan3A_28, %scan3A_29 : i32
    %scan3A_31 = arith.constant 1 : i32
    scf.for %scan3A_88 = %scan3A_28 to %scan3A_30 step %scan3A_31  : i32 {
      %mul3A_89 = arith.constant 16 : i32
      %mul3A_90 = arith.muli %scan3A_88, %mul3A_89 : i32
      %get3A = arith.index_cast %mul3A_90 : i32 to index
      %get3A_91 = tpu.vector_load %arg23[%get3A] {strides = array<i32>} : memref<15904xf32, #tpu.memory_space<vmem>>, vector<16xf32>,
      %mul3A_92 = arith.constant 16 : i32
      %mul3A_93 = arith.muli %scan3A_88, %mul3A_92 : i32
      %swap3A_94 = arith.index_cast %mul3A_93 : i32 to index
      %swap3A_95 = tpu.vector_load %arg24[%swap3A_94] {strides = array<i32>} : memref<15904xf32, #tpu.memory_space<vmem>>, vector<16xf32>,
      tpu.vector_store %arg24[%swap3A_94], %get3A_91 {strides = array<i32>} : memref<15904xf32, #tpu.memory_space<vmem>>, vector<16xf32>,
    }
    %scan3A_32 = arith.constant 994 : i32
    %scan3A_33 = arith.constant 0 : i32
    %scan3A_34 = arith.constant 0 : i32
    %scan3A_35 = arith.constant 8 : i32
    %scan3A_36 = arith.addi %scan3A_34, %scan3A_35 : i32
    %scan3A_37 = arith.constant 1 : i32
    scf.for %scan3A_88 = %scan3A_34 to %scan3A_36 step %scan3A_37  : i32 {
      %mul3A_89 = arith.constant 2048 : i32
      %mul3A_90 = arith.muli %scan3A_88, %mul3A_89 : i32
      "tpu.region"() ({
        %run_scoped3A = tpu.sem_alloc : memref<!tpu.dma_semaphore, #tpu.memory_space<semaphore_mem>>
        %dma_start3A_98 = tpu.memref_slice %arg2[%mul3A_90] : memref<16384xi32, #tpu.memory_space<hbm>> -> memref<2048xi32, #tpu.memory_space<hbm>>
        %dma_start3A_99 = tpu.memref_slice %arg2[%mul3A_90] : memref<16384xi32, #tpu.memory_space<hbm>> -> memref<2048xi32, #tpu.memory_space<hbm>>
        tpu.enqueue_dma source(%dma_start3A_99 : memref<2048xi32, #tpu.memory_space<hbm>>) target(%arg28 : memref<2048xi32, #tpu.memory_space<vmem>>) target_semaphore(%run_scoped3A : memref<!tpu.dma_semaphore, #tpu.memory_space<semaphore_mem>>)
        %dma_wait3A_100 = tpu.memref_slice %arg2[%mul3A_90] : memref<16384xi32, #tpu.memory_space<hbm>> -> memref<2048xi32, #tpu.memory_space<hbm>>
        %dma_wait3A_101 = tpu.memref_slice %arg2[%mul3A_90] : memref<16384xi32, #tpu.memory_space<hbm>> -> memref<2048xi32, #tpu.memory_space<hbm>>
        tpu.wait_dma2 semaphore(%run_scoped3A : memref<!tpu.dma_semaphore, #tpu.memory_space<semaphore_mem>>) src(%dma_wait3A_101 : memref<2048xi32, #tpu.memory_space<hbm>>) dst(%arg28 : memref<2048xi32, #tpu.memory_space<vmem>>)
        tpu.yield
      }) : () -> ()
      %mul3A_91 = arith.constant 2048 : i32
      %mul3A_92 = arith.muli %scan3A_88, %mul3A_91 : i32
      "tpu.region"() ({
        %run_scoped3A = tpu.sem_alloc : memref<!tpu.dma_semaphore, #tpu.memory_space<semaphore_mem>>
        %dma_start3A_98 = tpu.memref_slice %arg5[%mul3A_92] : memref<16384xf32, #tpu.memory_space<hbm>> -> memref<2048xf32, #tpu.memory_space<hbm>>
        %dma_start3A_99 = tpu.memref_slice %arg5[%mul3A_92] : memref<16384xf32, #tpu.memory_space<hbm>> -> memref<2048xf32, #tpu.memory_space<hbm>>
        tpu.enqueue_dma source(%dma_start3A_99 : memref<2048xf32, #tpu.memory_space<hbm>>) target(%arg29 : memref<2048xf32, #tpu.memory_space<vmem>>) target_semaphore(%run_scoped3A : memref<!tpu.dma_semaphore, #tpu.memory_space<semaphore_mem>>)
        %dma_wait3A_100 = tpu.memref_slice %arg5[%mul3A_92] : memref<16384xf32, #tpu.memory_space<hbm>> -> memref<2048xf32, #tpu.memory_space<hbm>>
        %dma_wait3A_101 = tpu.memref_slice %arg5[%mul3A_92] : memref<16384xf32, #tpu.memory_space<hbm>> -> memref<2048xf32, #tpu.memory_space<hbm>>
        tpu.wait_dma2 semaphore(%run_scoped3A : memref<!tpu.dma_semaphore, #tpu.memory_space<semaphore_mem>>) src(%dma_wait3A_101 : memref<2048xf32, #tpu.memory_space<hbm>>) dst(%arg29 : memref<2048xf32, #tpu.memory_space<vmem>>)
        tpu.yield
      }) : () -> ()
      %scan3A_93 = arith.constant 0 : i32
      %scan3A_94 = arith.constant 128 : i32
      %scan3A_95 = arith.addi %scan3A_93, %scan3A_94 : i32
      %scan3A_96 = arith.constant 1 : i32
      scf.for %scan3A_98 = %scan3A_93 to %scan3A_95 step %scan3A_96  : i32 {
        %mul3A_99 = arith.constant 16 : i32
        %mul3A_100 = arith.muli %scan3A_98, %mul3A_99 : i32
        %get3A = arith.index_cast %mul3A_100 : i32 to index
        %get3A_101 = tpu.vector_load %arg28[%get3A] {strides = array<i32>} : memref<2048xi32, #tpu.memory_space<vmem>>, vector<16xi32>,
        %mul3A_102 = arith.constant 16 : i32
        %mul3A_103 = arith.muli %scan3A_98, %mul3A_102 : i32
        %get3A_104 = arith.index_cast %mul3A_103 : i32 to index
        %get3A_105 = tpu.vector_load %arg29[%get3A_104] {strides = array<i32>} : memref<2048xf32, #tpu.memory_space<vmem>>, vector<16xf32>,
        %mul3A_106 = arith.constant 16 : i32
        %mul3A_107 = vector.broadcast %mul3A_106 : i32 to vector<16xi32>
        %mul3A_108 = arith.muli %get3A_101, %mul3A_107 : vector<16xi32>
        %add3A_109 = arith.addi %mul3A_108, %iota3A : vector<16xi32>
        %masked_sort3A = arith.constant dense<true> : vector<16xi1>
        %masked_sort3A_110 = arith.constant -2147483648 : i32
        %masked_sort3A_111 = vector.broadcast %masked_sort3A_110 : i32 to vector<16xi32>
        %masked_sort3A_112 = arith.xori %add3A_109, %masked_sort3A_111 : vector<16xi32>
        %masked_sort3A_113, %masked_sort3A_114, %masked_sort3A_115 = tpu.sort %masked_sort3A_112, %get3A_105 masked %masked_sort3A : (vector<16xi32>, vector<16xf32>, vector<16xi1>) -> (vector<16xi1>, vector<16xi32>, vector<16xf32>)
        %masked_sort3A_116 = arith.xori %masked_sort3A_114, %masked_sort3A_111 : vector<16xi32>
        %shift_right_logical3A = arith.constant 4 : i32
        %shift_right_logical3A_117 = vector.broadcast %shift_right_logical3A : i32 to vector<16xi32>
        %shift_right_logical3A_118 = arith.shrui %masked_sort3A_116, %shift_right_logical3A_117 : vector<16xi32>
        %mul3A_119 = arith.constant 2048 : i32
        %mul3A_120 = arith.muli %scan3A_88, %mul3A_119 : i32
        %mul3A_121 = arith.constant 16 : i32
        %mul3A_122 = arith.muli %scan3A_98, %mul3A_121 : i32
        %add3A_123 = arith.addi %mul3A_120, %mul3A_122 : i32
        %and3A = arith.constant 15 : i32
        %and3A_124 = vector.broadcast %and3A : i32 to vector<16xi32>
        %and3A_125 = arith.andi %masked_sort3A_116, %and3A_124 : vector<16xi32>
        %add3A_126 = vector.broadcast %add3A_123 : i32 to vector<16xi32>
        %add3A_127 = arith.addi %add3A_126, %and3A_125 : vector<16xi32>
        %swap3A_128 = arith.constant 0 : index
        %swap3A_129 = tpu.vector_load %arg30[%swap3A_128] {strides = array<i32>} : memref<32xi32, #tpu.memory_space<vmem>>, vector<16xi32>,
        tpu.vector_store %arg30[%swap3A_128], %shift_right_logical3A_118 {strides = array<i32>} : memref<32xi32, #tpu.memory_space<vmem>>, vector<16xi32>,
        %get3A_130 = arith.constant 1 : index
        %get3A_131 = tpu.vector_load %arg30[%get3A_130] {strides = array<i32>} : memref<32xi32, #tpu.memory_space<vmem>>, vector<16xi32>,
        %ne3A = arith.cmpi ne, %shift_right_logical3A_118, %get3A_131 : vector<16xi32>
        %ge3A = vector.broadcast %mul3A_23 : i32 to vector<16xi32>
        %ge3A_132 = arith.cmpi sge, %shift_right_logical3A_118, %ge3A : vector<16xi32>
        %and3A_133 = arith.andi %ne3A, %ge3A_132 : vector<16xi1>
        %lt3A = vector.broadcast %add3A_27 : i32 to vector<16xi32>
        %lt3A_134 = arith.cmpi slt, %shift_right_logical3A_118, %lt3A : vector<16xi32>
        %and3A_135 = arith.andi %and3A_133, %lt3A_134 : vector<16xi1>
        %sub3A = vector.broadcast %mul3A_23 : i32 to vector<16xi32>
        %sub3A_136 = arith.subi %shift_right_logical3A_118, %sub3A : vector<16xi32>
        %jit3A_137 = arith.constant 0 : i32
        %jit3A_138 = arith.constant 15903 : i32
        %max3A = vector.broadcast %jit3A_137 : i32 to vector<16xi32>
        %max3A_139 = arith.maxsi %max3A, %sub3A_136 : vector<16xi32>
        %min3A = vector.broadcast %jit3A_138 : i32 to vector<16xi32>
        %min3A_140 = arith.minsi %min3A, %max3A_139 : vector<16xi32>
        %gather3A = tpu.vector_load_idx %arg23[%min3A_140] masked %and3A_135 : memref<15904xf32, #tpu.memory_space<vmem>>[vector<16xi32>], vector<16xf32>, vector<16xi1>
        %max3A_141 = arith.maximumf %gather3A, %masked_sort3A_115 : vector<16xf32>
        tpu.vector_store_idx %arg24[%min3A_140], %max3A_141 masked %and3A_135 : memref<15904xf32, #tpu.memory_space<vmem>>[vector<16xi32>], vector<16xf32>, vector<16xi1>
        tpu.vector_store_idx %arg25[%min3A_140], %add3A_127 masked %and3A_135 : memref<15904xi32, #tpu.memory_space<vmem>>[vector<16xi32>], vector<16xi32>, vector<16xi1>
      }
      %scan3A_97 = arith.constant 128 : i32
    }
    %scan3A_38 = arith.constant 8 : i32
    %mul3A_39 = arith.constant 15616 : i32
    %mul3A_40 = arith.muli %add3A, %mul3A_39 : i32
    "tpu.region"() ({
      %run_scoped3A = tpu.sem_alloc : memref<!tpu.dma_semaphore, #tpu.memory_space<semaphore_mem>>
      %dma_start3A_88 = arith.constant 0 : i32
      %dma_start3A_89 = tpu.memref_slice %arg25[%dma_start3A_88] : memref<15904xi32, #tpu.memory_space<vmem>> -> memref<15616xi32, #tpu.memory_space<vmem>>
      %dma_start3A_90 = tpu.memref_slice %arg18[%mul3A_40] : memref<500000xi32, #tpu.memory_space<hbm>> -> memref<15616xi32, #tpu.memory_space<hbm>>
      %dma_start3A_91 = tpu.memref_slice %arg18[%mul3A_40] : memref<500000xi32, #tpu.memory_space<hbm>> -> memref<15616xi32, #tpu.memory_space<hbm>>
      %dma_start3A_92 = arith.constant 0 : i32
      %dma_start3A_93 = tpu.memref_slice %arg25[%dma_start3A_92] : memref<15904xi32, #tpu.memory_space<vmem>> -> memref<15616xi32, #tpu.memory_space<vmem>>
      tpu.enqueue_dma source(%dma_start3A_93 : memref<15616xi32, #tpu.memory_space<vmem>>) target(%dma_start3A_91 : memref<15616xi32, #tpu.memory_space<hbm>>) target_semaphore(%run_scoped3A : memref<!tpu.dma_semaphore, #tpu.memory_space<semaphore_mem>>)
      %dma_wait3A_94 = arith.constant 0 : i32
      %dma_wait3A_95 = tpu.memref_slice %arg25[%dma_wait3A_94] : memref<15904xi32, #tpu.memory_space<vmem>> -> memref<15616xi32, #tpu.memory_space<vmem>>
      %dma_wait3A_96 = tpu.memref_slice %arg18[%mul3A_40] : memref<500000xi32, #tpu.memory_space<hbm>> -> memref<15616xi32, #tpu.memory_space<hbm>>
      %dma_wait3A_97 = tpu.memref_slice %arg18[%mul3A_40] : memref<500000xi32, #tpu.memory_space<hbm>> -> memref<15616xi32, #tpu.memory_space<hbm>>
      %dma_wait3A_98 = arith.constant 0 : i32
      %dma_wait3A_99 = tpu.memref_slice %arg25[%dma_wait3A_98] : memref<15904xi32, #tpu.memory_space<vmem>> -> memref<15616xi32, #tpu.memory_space<vmem>>
      tpu.wait_dma2 semaphore(%run_scoped3A : memref<!tpu.dma_semaphore, #tpu.memory_space<semaphore_mem>>) src(%dma_wait3A_99 : memref<15616xi32, #tpu.memory_space<vmem>>) dst(%dma_wait3A_97 : memref<15616xi32, #tpu.memory_space<hbm>>)
      tpu.yield
    }) : () -> ()
    %convert_element_type3A = arith.extui %eq3A_1 : i1 to i32
    %cond3A = arith.constant 0 : i32
    %cond3A_41 = arith.cmpi ne, %convert_element_type3A, %cond3A : i32
    scf.if %cond3A_41 {
      "tpu.region"() ({
        %run_scoped3A = tpu.sem_alloc : memref<!tpu.dma_semaphore, #tpu.memory_space<semaphore_mem>>
        %dma_start3A_88 = arith.constant 15616 : i32
        %dma_start3A_89 = tpu.memref_slice %arg25[%dma_start3A_88] : memref<15904xi32, #tpu.memory_space<vmem>> -> memref<288xi32, #tpu.memory_space<vmem>>
        %dma_start3A_90 = arith.constant 499712 : i32
        %dma_start3A_91 = tpu.memref_slice %arg18[%dma_start3A_90] : memref<500000xi32, #tpu.memory_space<hbm>> -> memref<288xi32, #tpu.memory_space<hbm>>
        %dma_start3A_92 = arith.constant 499712 : i32
        %dma_start3A_93 = tpu.memref_slice %arg18[%dma_start3A_92] : memref<500000xi32, #tpu.memory_space<hbm>> -> memref<288xi32, #tpu.memory_space<hbm>>
        %dma_start3A_94 = arith.constant 15616 : i32
        %dma_start3A_95 = tpu.memref_slice %arg25[%dma_start3A_94] : memref<15904xi32, #tpu.memory_space<vmem>> -> memref<288xi32, #tpu.memory_space<vmem>>
        tpu.enqueue_dma source(%dma_start3A_95 : memref<288xi32, #tpu.memory_space<vmem>>) target(%dma_start3A_93 : memref<288xi32, #tpu.memory_space<hbm>>) target_semaphore(%run_scoped3A : memref<!tpu.dma_semaphore, #tpu.memory_space<semaphore_mem>>)
        %dma_wait3A_96 = arith.constant 15616 : i32
        %dma_wait3A_97 = tpu.memref_slice %arg25[%dma_wait3A_96] : memref<15904xi32, #tpu.memory_space<vmem>> -> memref<288xi32, #tpu.memory_space<vmem>>
        %dma_wait3A_98 = arith.constant 499712 : i32
        %dma_wait3A_99 = tpu.memref_slice %arg18[%dma_wait3A_98] : memref<500000xi32, #tpu.memory_space<hbm>> -> memref<288xi32, #tpu.memory_space<hbm>>
        %dma_wait3A_100 = arith.constant 499712 : i32
        %dma_wait3A_101 = tpu.memref_slice %arg18[%dma_wait3A_100] : memref<500000xi32, #tpu.memory_space<hbm>> -> memref<288xi32, #tpu.memory_space<hbm>>
        %dma_wait3A_102 = arith.constant 15616 : i32
        %dma_wait3A_103 = tpu.memref_slice %arg25[%dma_wait3A_102] : memref<15904xi32, #tpu.memory_space<vmem>> -> memref<288xi32, #tpu.memory_space<vmem>>
        tpu.wait_dma2 semaphore(%run_scoped3A : memref<!tpu.dma_semaphore, #tpu.memory_space<semaphore_mem>>) src(%dma_wait3A_103 : memref<288xi32, #tpu.memory_space<vmem>>) dst(%dma_wait3A_101 : memref<288xi32, #tpu.memory_space<hbm>>)
        tpu.yield
      }) : () -> ()
    } else {
    }
    %scan3A_42 = arith.constant 0 : i32
    %scan3A_43 = arith.constant 0 : i32
    %scan3A_44 = arith.constant 994 : i32
    %scan3A_45 = arith.addi %scan3A_43, %scan3A_44 : i32
    %scan3A_46 = arith.constant 1 : i32
    scf.for %scan3A_88 = %scan3A_43 to %scan3A_45 step %scan3A_46  : i32 {
      %mul3A_89 = arith.constant 16 : i32
      %mul3A_90 = arith.muli %scan3A_88, %mul3A_89 : i32
      %get3A = arith.index_cast %mul3A_90 : i32 to index
      %get3A_91 = tpu.vector_load %arg24[%get3A] {strides = array<i32>} : memref<15904xf32, #tpu.memory_space<vmem>>, vector<16xf32>,
      %mul3A_92 = arith.constant 16 : i32
      %mul3A_93 = arith.muli %scan3A_88, %mul3A_92 : i32
      %swap3A_94 = arith.index_cast %mul3A_93 : i32 to index
      %swap3A_95 = tpu.vector_load %arg23[%swap3A_94] {strides = array<i32>} : memref<15904xf32, #tpu.memory_space<vmem>>, vector<16xf32>,
      tpu.vector_store %arg23[%swap3A_94], %get3A_91 {strides = array<i32>} : memref<15904xf32, #tpu.memory_space<vmem>>, vector<16xf32>,
    }
    %scan3A_47 = arith.constant 994 : i32
    %scan3A_48 = arith.constant 0 : i32
    %scan3A_49 = arith.constant 0 : i32
    %scan3A_50 = arith.constant 8 : i32
    %scan3A_51 = arith.addi %scan3A_49, %scan3A_50 : i32
    %scan3A_52 = arith.constant 1 : i32
    scf.for %scan3A_88 = %scan3A_49 to %scan3A_51 step %scan3A_52  : i32 {
      %mul3A_89 = arith.constant 2048 : i32
      %mul3A_90 = arith.muli %scan3A_88, %mul3A_89 : i32
      "tpu.region"() ({
        %run_scoped3A = tpu.sem_alloc : memref<!tpu.dma_semaphore, #tpu.memory_space<semaphore_mem>>
        %dma_start3A_98 = tpu.memref_slice %arg3[%mul3A_90] : memref<16384xi32, #tpu.memory_space<hbm>> -> memref<2048xi32, #tpu.memory_space<hbm>>
        %dma_start3A_99 = tpu.memref_slice %arg3[%mul3A_90] : memref<16384xi32, #tpu.memory_space<hbm>> -> memref<2048xi32, #tpu.memory_space<hbm>>
        tpu.enqueue_dma source(%dma_start3A_99 : memref<2048xi32, #tpu.memory_space<hbm>>) target(%arg28 : memref<2048xi32, #tpu.memory_space<vmem>>) target_semaphore(%run_scoped3A : memref<!tpu.dma_semaphore, #tpu.memory_space<semaphore_mem>>)
        %dma_wait3A_100 = tpu.memref_slice %arg3[%mul3A_90] : memref<16384xi32, #tpu.memory_space<hbm>> -> memref<2048xi32, #tpu.memory_space<hbm>>
        %dma_wait3A_101 = tpu.memref_slice %arg3[%mul3A_90] : memref<16384xi32, #tpu.memory_space<hbm>> -> memref<2048xi32, #tpu.memory_space<hbm>>
        tpu.wait_dma2 semaphore(%run_scoped3A : memref<!tpu.dma_semaphore, #tpu.memory_space<semaphore_mem>>) src(%dma_wait3A_101 : memref<2048xi32, #tpu.memory_space<hbm>>) dst(%arg28 : memref<2048xi32, #tpu.memory_space<vmem>>)
        tpu.yield
      }) : () -> ()
      %mul3A_91 = arith.constant 2048 : i32
      %mul3A_92 = arith.muli %scan3A_88, %mul3A_91 : i32
      "tpu.region"() ({
        %run_scoped3A = tpu.sem_alloc : memref<!tpu.dma_semaphore, #tpu.memory_space<semaphore_mem>>
        %dma_start3A_98 = tpu.memref_slice %arg6[%mul3A_92] : memref<16384xf32, #tpu.memory_space<hbm>> -> memref<2048xf32, #tpu.memory_space<hbm>>
        %dma_start3A_99 = tpu.memref_slice %arg6[%mul3A_92] : memref<16384xf32, #tpu.memory_space<hbm>> -> memref<2048xf32, #tpu.memory_space<hbm>>
        tpu.enqueue_dma source(%dma_start3A_99 : memref<2048xf32, #tpu.memory_space<hbm>>) target(%arg29 : memref<2048xf32, #tpu.memory_space<vmem>>) target_semaphore(%run_scoped3A : memref<!tpu.dma_semaphore, #tpu.memory_space<semaphore_mem>>)
        %dma_wait3A_100 = tpu.memref_slice %arg6[%mul3A_92] : memref<16384xf32, #tpu.memory_space<hbm>> -> memref<2048xf32, #tpu.memory_space<hbm>>
        %dma_wait3A_101 = tpu.memref_slice %arg6[%mul3A_92] : memref<16384xf32, #tpu.memory_space<hbm>> -> memref<2048xf32, #tpu.memory_space<hbm>>
        tpu.wait_dma2 semaphore(%run_scoped3A : memref<!tpu.dma_semaphore, #tpu.memory_space<semaphore_mem>>) src(%dma_wait3A_101 : memref<2048xf32, #tpu.memory_space<hbm>>) dst(%arg29 : memref<2048xf32, #tpu.memory_space<vmem>>)
        tpu.yield
      }) : () -> ()
      %scan3A_93 = arith.constant 0 : i32
      %scan3A_94 = arith.constant 128 : i32
      %scan3A_95 = arith.addi %scan3A_93, %scan3A_94 : i32
      %scan3A_96 = arith.constant 1 : i32
      scf.for %scan3A_98 = %scan3A_93 to %scan3A_95 step %scan3A_96  : i32 {
        %mul3A_99 = arith.constant 16 : i32
        %mul3A_100 = arith.muli %scan3A_98, %mul3A_99 : i32
        %get3A = arith.index_cast %mul3A_100 : i32 to index
        %get3A_101 = tpu.vector_load %arg28[%get3A] {strides = array<i32>} : memref<2048xi32, #tpu.memory_space<vmem>>, vector<16xi32>,
        %mul3A_102 = arith.constant 16 : i32
        %mul3A_103 = arith.muli %scan3A_98, %mul3A_102 : i32
        %get3A_104 = arith.index_cast %mul3A_103 : i32 to index
        %get3A_105 = tpu.vector_load %arg29[%get3A_104] {strides = array<i32>} : memref<2048xf32, #tpu.memory_space<vmem>>, vector<16xf32>,
        %mul3A_106 = arith.constant 16 : i32
        %mul3A_107 = vector.broadcast %mul3A_106 : i32 to vector<16xi32>
        %mul3A_108 = arith.muli %get3A_101, %mul3A_107 : vector<16xi32>
        %add3A_109 = arith.addi %mul3A_108, %iota3A : vector<16xi32>
        %masked_sort3A = arith.constant dense<true> : vector<16xi1>
        %masked_sort3A_110 = arith.constant -2147483648 : i32
        %masked_sort3A_111 = vector.broadcast %masked_sort3A_110 : i32 to vector<16xi32>
        %masked_sort3A_112 = arith.xori %add3A_109, %masked_sort3A_111 : vector<16xi32>
        %masked_sort3A_113, %masked_sort3A_114, %masked_sort3A_115 = tpu.sort %masked_sort3A_112, %get3A_105 masked %masked_sort3A : (vector<16xi32>, vector<16xf32>, vector<16xi1>) -> (vector<16xi1>, vector<16xi32>, vector<16xf32>)
        %masked_sort3A_116 = arith.xori %masked_sort3A_114, %masked_sort3A_111 : vector<16xi32>
        %shift_right_logical3A = arith.constant 4 : i32
        %shift_right_logical3A_117 = vector.broadcast %shift_right_logical3A : i32 to vector<16xi32>
        %shift_right_logical3A_118 = arith.shrui %masked_sort3A_116, %shift_right_logical3A_117 : vector<16xi32>
        %mul3A_119 = arith.constant 2048 : i32
        %mul3A_120 = arith.muli %scan3A_88, %mul3A_119 : i32
        %mul3A_121 = arith.constant 16 : i32
        %mul3A_122 = arith.muli %scan3A_98, %mul3A_121 : i32
        %add3A_123 = arith.addi %mul3A_120, %mul3A_122 : i32
        %and3A = arith.constant 15 : i32
        %and3A_124 = vector.broadcast %and3A : i32 to vector<16xi32>
        %and3A_125 = arith.andi %masked_sort3A_116, %and3A_124 : vector<16xi32>
        %add3A_126 = vector.broadcast %add3A_123 : i32 to vector<16xi32>
        %add3A_127 = arith.addi %add3A_126, %and3A_125 : vector<16xi32>
        %swap3A_128 = arith.constant 0 : index
        %swap3A_129 = tpu.vector_load %arg30[%swap3A_128] {strides = array<i32>} : memref<32xi32, #tpu.memory_space<vmem>>, vector<16xi32>,
        tpu.vector_store %arg30[%swap3A_128], %shift_right_logical3A_118 {strides = array<i32>} : memref<32xi32, #tpu.memory_space<vmem>>, vector<16xi32>,
        %get3A_130 = arith.constant 1 : index
        %get3A_131 = tpu.vector_load %arg30[%get3A_130] {strides = array<i32>} : memref<32xi32, #tpu.memory_space<vmem>>, vector<16xi32>,
        %ne3A = arith.cmpi ne, %shift_right_logical3A_118, %get3A_131 : vector<16xi32>
        %ge3A = vector.broadcast %mul3A_23 : i32 to vector<16xi32>
        %ge3A_132 = arith.cmpi sge, %shift_right_logical3A_118, %ge3A : vector<16xi32>
        %and3A_133 = arith.andi %ne3A, %ge3A_132 : vector<16xi1>
        %lt3A = vector.broadcast %add3A_27 : i32 to vector<16xi32>
        %lt3A_134 = arith.cmpi slt, %shift_right_logical3A_118, %lt3A : vector<16xi32>
        %and3A_135 = arith.andi %and3A_133, %lt3A_134 : vector<16xi1>
        %sub3A = vector.broadcast %mul3A_23 : i32 to vector<16xi32>
        %sub3A_136 = arith.subi %shift_right_logical3A_118, %sub3A : vector<16xi32>
        %jit3A_137 = arith.constant 0 : i32
        %jit3A_138 = arith.constant 15903 : i32
        %max3A = vector.broadcast %jit3A_137 : i32 to vector<16xi32>
        %max3A_139 = arith.maxsi %max3A, %sub3A_136 : vector<16xi32>
        %min3A = vector.broadcast %jit3A_138 : i32 to vector<16xi32>
        %min3A_140 = arith.minsi %min3A, %max3A_139 : vector<16xi32>
        %gather3A = tpu.vector_load_idx %arg23[%min3A_140] masked %and3A_135 : memref<15904xf32, #tpu.memory_space<vmem>>[vector<16xi32>], vector<16xf32>, vector<16xi1>
        %max3A_141 = arith.maximumf %gather3A, %masked_sort3A_115 : vector<16xf32>
        tpu.vector_store_idx %arg24[%min3A_140], %max3A_141 masked %and3A_135 : memref<15904xf32, #tpu.memory_space<vmem>>[vector<16xi32>], vector<16xf32>, vector<16xi1>
        tpu.vector_store_idx %arg25[%min3A_140], %add3A_127 masked %and3A_135 : memref<15904xi32, #tpu.memory_space<vmem>>[vector<16xi32>], vector<16xi32>, vector<16xi1>
      }
      %scan3A_97 = arith.constant 128 : i32
    }
    %scan3A_53 = arith.constant 8 : i32
    %mul3A_54 = arith.constant 15616 : i32
    %mul3A_55 = arith.muli %add3A, %mul3A_54 : i32
    "tpu.region"() ({
      %run_scoped3A = tpu.sem_alloc : memref<!tpu.dma_semaphore, #tpu.memory_space<semaphore_mem>>
      %dma_start3A_88 = arith.constant 0 : i32
      %dma_start3A_89 = tpu.memref_slice %arg25[%dma_start3A_88] : memref<15904xi32, #tpu.memory_space<vmem>> -> memref<15616xi32, #tpu.memory_space<vmem>>
      %dma_start3A_90 = tpu.memref_slice %arg19[%mul3A_55] : memref<500000xi32, #tpu.memory_space<hbm>> -> memref<15616xi32, #tpu.memory_space<hbm>>
      %dma_start3A_91 = tpu.memref_slice %arg19[%mul3A_55] : memref<500000xi32, #tpu.memory_space<hbm>> -> memref<15616xi32, #tpu.memory_space<hbm>>
      %dma_start3A_92 = arith.constant 0 : i32
      %dma_start3A_93 = tpu.memref_slice %arg25[%dma_start3A_92] : memref<15904xi32, #tpu.memory_space<vmem>> -> memref<15616xi32, #tpu.memory_space<vmem>>
      tpu.enqueue_dma source(%dma_start3A_93 : memref<15616xi32, #tpu.memory_space<vmem>>) target(%dma_start3A_91 : memref<15616xi32, #tpu.memory_space<hbm>>) target_semaphore(%run_scoped3A : memref<!tpu.dma_semaphore, #tpu.memory_space<semaphore_mem>>)
      %dma_wait3A_94 = arith.constant 0 : i32
      %dma_wait3A_95 = tpu.memref_slice %arg25[%dma_wait3A_94] : memref<15904xi32, #tpu.memory_space<vmem>> -> memref<15616xi32, #tpu.memory_space<vmem>>
      %dma_wait3A_96 = tpu.memref_slice %arg19[%mul3A_55] : memref<500000xi32, #tpu.memory_space<hbm>> -> memref<15616xi32, #tpu.memory_space<hbm>>
      %dma_wait3A_97 = tpu.memref_slice %arg19[%mul3A_55] : memref<500000xi32, #tpu.memory_space<hbm>> -> memref<15616xi32, #tpu.memory_space<hbm>>
      %dma_wait3A_98 = arith.constant 0 : i32
      %dma_wait3A_99 = tpu.memref_slice %arg25[%dma_wait3A_98] : memref<15904xi32, #tpu.memory_space<vmem>> -> memref<15616xi32, #tpu.memory_space<vmem>>
      tpu.wait_dma2 semaphore(%run_scoped3A : memref<!tpu.dma_semaphore, #tpu.memory_space<semaphore_mem>>) src(%dma_wait3A_99 : memref<15616xi32, #tpu.memory_space<vmem>>) dst(%dma_wait3A_97 : memref<15616xi32, #tpu.memory_space<hbm>>)
      tpu.yield
    }) : () -> ()
    %convert_element_type3A_56 = arith.extui %eq3A_1 : i1 to i32
    %cond3A_57 = arith.constant 0 : i32
    %cond3A_58 = arith.cmpi ne, %convert_element_type3A_56, %cond3A_57 : i32
    scf.if %cond3A_58 {
      "tpu.region"() ({
        %run_scoped3A = tpu.sem_alloc : memref<!tpu.dma_semaphore, #tpu.memory_space<semaphore_mem>>
        %dma_start3A_88 = arith.constant 15616 : i32
        %dma_start3A_89 = tpu.memref_slice %arg25[%dma_start3A_88] : memref<15904xi32, #tpu.memory_space<vmem>> -> memref<288xi32, #tpu.memory_space<vmem>>
        %dma_start3A_90 = arith.constant 499712 : i32
        %dma_start3A_91 = tpu.memref_slice %arg19[%dma_start3A_90] : memref<500000xi32, #tpu.memory_space<hbm>> -> memref<288xi32, #tpu.memory_space<hbm>>
        %dma_start3A_92 = arith.constant 499712 : i32
        %dma_start3A_93 = tpu.memref_slice %arg19[%dma_start3A_92] : memref<500000xi32, #tpu.memory_space<hbm>> -> memref<288xi32, #tpu.memory_space<hbm>>
        %dma_start3A_94 = arith.constant 15616 : i32
        %dma_start3A_95 = tpu.memref_slice %arg25[%dma_start3A_94] : memref<15904xi32, #tpu.memory_space<vmem>> -> memref<288xi32, #tpu.memory_space<vmem>>
        tpu.enqueue_dma source(%dma_start3A_95 : memref<288xi32, #tpu.memory_space<vmem>>) target(%dma_start3A_93 : memref<288xi32, #tpu.memory_space<hbm>>) target_semaphore(%run_scoped3A : memref<!tpu.dma_semaphore, #tpu.memory_space<semaphore_mem>>)
        %dma_wait3A_96 = arith.constant 15616 : i32
        %dma_wait3A_97 = tpu.memref_slice %arg25[%dma_wait3A_96] : memref<15904xi32, #tpu.memory_space<vmem>> -> memref<288xi32, #tpu.memory_space<vmem>>
        %dma_wait3A_98 = arith.constant 499712 : i32
        %dma_wait3A_99 = tpu.memref_slice %arg19[%dma_wait3A_98] : memref<500000xi32, #tpu.memory_space<hbm>> -> memref<288xi32, #tpu.memory_space<hbm>>
        %dma_wait3A_100 = arith.constant 499712 : i32
        %dma_wait3A_101 = tpu.memref_slice %arg19[%dma_wait3A_100] : memref<500000xi32, #tpu.memory_space<hbm>> -> memref<288xi32, #tpu.memory_space<hbm>>
        %dma_wait3A_102 = arith.constant 15616 : i32
        %dma_wait3A_103 = tpu.memref_slice %arg25[%dma_wait3A_102] : memref<15904xi32, #tpu.memory_space<vmem>> -> memref<288xi32, #tpu.memory_space<vmem>>
        tpu.wait_dma2 semaphore(%run_scoped3A : memref<!tpu.dma_semaphore, #tpu.memory_space<semaphore_mem>>) src(%dma_wait3A_103 : memref<288xi32, #tpu.memory_space<vmem>>) dst(%dma_wait3A_101 : memref<288xi32, #tpu.memory_space<hbm>>)
        tpu.yield
      }) : () -> ()
    } else {
    }
    %mul3A_59 = arith.constant 15616 : i32
    %mul3A_60 = arith.muli %add3A, %mul3A_59 : i32
    "tpu.region"() ({
      %run_scoped3A = tpu.sem_alloc : memref<!tpu.dma_semaphore, #tpu.memory_space<semaphore_mem>>
      %dma_start3A_88 = arith.constant 0 : i32
      %dma_start3A_89 = tpu.memref_slice %arg24[%dma_start3A_88] : memref<15904xf32, #tpu.memory_space<vmem>> -> memref<15616xf32, #tpu.memory_space<vmem>>
      %dma_start3A_90 = tpu.memref_slice %arg16[%mul3A_60] : memref<500000xf32, #tpu.memory_space<hbm>> -> memref<15616xf32, #tpu.memory_space<hbm>>
      %dma_start3A_91 = tpu.memref_slice %arg16[%mul3A_60] : memref<500000xf32, #tpu.memory_space<hbm>> -> memref<15616xf32, #tpu.memory_space<hbm>>
      %dma_start3A_92 = arith.constant 0 : i32
      %dma_start3A_93 = tpu.memref_slice %arg24[%dma_start3A_92] : memref<15904xf32, #tpu.memory_space<vmem>> -> memref<15616xf32, #tpu.memory_space<vmem>>
      tpu.enqueue_dma source(%dma_start3A_93 : memref<15616xf32, #tpu.memory_space<vmem>>) target(%dma_start3A_91 : memref<15616xf32, #tpu.memory_space<hbm>>) target_semaphore(%run_scoped3A : memref<!tpu.dma_semaphore, #tpu.memory_space<semaphore_mem>>)
      %dma_wait3A_94 = arith.constant 0 : i32
      %dma_wait3A_95 = tpu.memref_slice %arg24[%dma_wait3A_94] : memref<15904xf32, #tpu.memory_space<vmem>> -> memref<15616xf32, #tpu.memory_space<vmem>>
      %dma_wait3A_96 = tpu.memref_slice %arg16[%mul3A_60] : memref<500000xf32, #tpu.memory_space<hbm>> -> memref<15616xf32, #tpu.memory_space<hbm>>
      %dma_wait3A_97 = tpu.memref_slice %arg16[%mul3A_60] : memref<500000xf32, #tpu.memory_space<hbm>> -> memref<15616xf32, #tpu.memory_space<hbm>>
      %dma_wait3A_98 = arith.constant 0 : i32
      %dma_wait3A_99 = tpu.memref_slice %arg24[%dma_wait3A_98] : memref<15904xf32, #tpu.memory_space<vmem>> -> memref<15616xf32, #tpu.memory_space<vmem>>
      tpu.wait_dma2 semaphore(%run_scoped3A : memref<!tpu.dma_semaphore, #tpu.memory_space<semaphore_mem>>) src(%dma_wait3A_99 : memref<15616xf32, #tpu.memory_space<vmem>>) dst(%dma_wait3A_97 : memref<15616xf32, #tpu.memory_space<hbm>>)
      tpu.yield
    }) : () -> ()
    %convert_element_type3A_61 = arith.extui %eq3A_1 : i1 to i32
    %cond3A_62 = arith.constant 0 : i32
    %cond3A_63 = arith.cmpi ne, %convert_element_type3A_61, %cond3A_62 : i32
    scf.if %cond3A_63 {
      "tpu.region"() ({
        %run_scoped3A = tpu.sem_alloc : memref<!tpu.dma_semaphore, #tpu.memory_space<semaphore_mem>>
        %dma_start3A_88 = arith.constant 15616 : i32
        %dma_start3A_89 = tpu.memref_slice %arg24[%dma_start3A_88] : memref<15904xf32, #tpu.memory_space<vmem>> -> memref<288xf32, #tpu.memory_space<vmem>>
        %dma_start3A_90 = arith.constant 499712 : i32
        %dma_start3A_91 = tpu.memref_slice %arg16[%dma_start3A_90] : memref<500000xf32, #tpu.memory_space<hbm>> -> memref<288xf32, #tpu.memory_space<hbm>>
        %dma_start3A_92 = arith.constant 499712 : i32
        %dma_start3A_93 = tpu.memref_slice %arg16[%dma_start3A_92] : memref<500000xf32, #tpu.memory_space<hbm>> -> memref<288xf32, #tpu.memory_space<hbm>>
        %dma_start3A_94 = arith.constant 15616 : i32
        %dma_start3A_95 = tpu.memref_slice %arg24[%dma_start3A_94] : memref<15904xf32, #tpu.memory_space<vmem>> -> memref<288xf32, #tpu.memory_space<vmem>>
        tpu.enqueue_dma source(%dma_start3A_95 : memref<288xf32, #tpu.memory_space<vmem>>) target(%dma_start3A_93 : memref<288xf32, #tpu.memory_space<hbm>>) target_semaphore(%run_scoped3A : memref<!tpu.dma_semaphore, #tpu.memory_space<semaphore_mem>>)
        %dma_wait3A_96 = arith.constant 15616 : i32
        %dma_wait3A_97 = tpu.memref_slice %arg24[%dma_wait3A_96] : memref<15904xf32, #tpu.memory_space<vmem>> -> memref<288xf32, #tpu.memory_space<vmem>>
        %dma_wait3A_98 = arith.constant 499712 : i32
        %dma_wait3A_99 = tpu.memref_slice %arg16[%dma_wait3A_98] : memref<500000xf32, #tpu.memory_space<hbm>> -> memref<288xf32, #tpu.memory_space<hbm>>
        %dma_wait3A_100 = arith.constant 499712 : i32
        %dma_wait3A_101 = tpu.memref_slice %arg16[%dma_wait3A_100] : memref<500000xf32, #tpu.memory_space<hbm>> -> memref<288xf32, #tpu.memory_space<hbm>>
        %dma_wait3A_102 = arith.constant 15616 : i32
        %dma_wait3A_103 = tpu.memref_slice %arg24[%dma_wait3A_102] : memref<15904xf32, #tpu.memory_space<vmem>> -> memref<288xf32, #tpu.memory_space<vmem>>
        tpu.wait_dma2 semaphore(%run_scoped3A : memref<!tpu.dma_semaphore, #tpu.memory_space<semaphore_mem>>) src(%dma_wait3A_103 : memref<288xf32, #tpu.memory_space<vmem>>) dst(%dma_wait3A_101 : memref<288xf32, #tpu.memory_space<hbm>>)
        tpu.yield
      }) : () -> ()
    } else {
    }
    %mul3A_64 = arith.constant 6240 : i32
    %mul3A_65 = arith.muli %add3A, %mul3A_64 : i32
    %add3A_66 = arith.constant 6240 : i32
    %add3A_67 = arith.addi %mul3A_65, %add3A_66 : i32
    %jit3A_68 = arith.constant 320 : i32
    %jit3A_69 = arith.constant 0 : i32
    %select_n3A_70 = arith.select %eq3A_1, %jit3A_68, %jit3A_69 : i32
    %add3A_71 = arith.addi %add3A_67, %select_n3A_70 : i32
    "tpu.region"() ({
      %run_scoped3A = tpu.sem_alloc : memref<!tpu.dma_semaphore, #tpu.memory_space<semaphore_mem>>
      %dma_start3A_88 = tpu.memref_slice %arg12[%mul3A_65] : memref<200000xf32, #tpu.memory_space<hbm>> -> memref<6560xf32, #tpu.memory_space<hbm>>
      %dma_start3A_89 = tpu.memref_slice %arg12[%mul3A_65] : memref<200000xf32, #tpu.memory_space<hbm>> -> memref<6560xf32, #tpu.memory_space<hbm>>
      tpu.enqueue_dma source(%dma_start3A_89 : memref<6560xf32, #tpu.memory_space<hbm>>) target(%arg26 : memref<6560xf32, #tpu.memory_space<vmem>>) target_semaphore(%run_scoped3A : memref<!tpu.dma_semaphore, #tpu.memory_space<semaphore_mem>>)
      %dma_wait3A_90 = tpu.memref_slice %arg12[%mul3A_65] : memref<200000xf32, #tpu.memory_space<hbm>> -> memref<6560xf32, #tpu.memory_space<hbm>>
      %dma_wait3A_91 = tpu.memref_slice %arg12[%mul3A_65] : memref<200000xf32, #tpu.memory_space<hbm>> -> memref<6560xf32, #tpu.memory_space<hbm>>
      tpu.wait_dma2 semaphore(%run_scoped3A : memref<!tpu.dma_semaphore, #tpu.memory_space<semaphore_mem>>) src(%dma_wait3A_91 : memref<6560xf32, #tpu.memory_space<hbm>>) dst(%arg26 : memref<6560xf32, #tpu.memory_space<vmem>>)
      tpu.yield
    }) : () -> ()
    %scan3A_72 = arith.constant 0 : i32
    %scan3A_73 = arith.constant 0 : i32
    %scan3A_74 = arith.constant 8 : i32
    %scan3A_75 = arith.addi %scan3A_73, %scan3A_74 : i32
    %scan3A_76 = arith.constant 1 : i32
    scf.for %scan3A_88 = %scan3A_73 to %scan3A_75 step %scan3A_76  : i32 {
      %mul3A_89 = arith.constant 2048 : i32
      %mul3A_90 = arith.muli %scan3A_88, %mul3A_89 : i32
      "tpu.region"() ({
        %run_scoped3A = tpu.sem_alloc : memref<!tpu.dma_semaphore, #tpu.memory_space<semaphore_mem>>
        %dma_start3A_98 = tpu.memref_slice %arg4[%mul3A_90] : memref<16384xi32, #tpu.memory_space<hbm>> -> memref<2048xi32, #tpu.memory_space<hbm>>
        %dma_start3A_99 = tpu.memref_slice %arg4[%mul3A_90] : memref<16384xi32, #tpu.memory_space<hbm>> -> memref<2048xi32, #tpu.memory_space<hbm>>
        tpu.enqueue_dma source(%dma_start3A_99 : memref<2048xi32, #tpu.memory_space<hbm>>) target(%arg28 : memref<2048xi32, #tpu.memory_space<vmem>>) target_semaphore(%run_scoped3A : memref<!tpu.dma_semaphore, #tpu.memory_space<semaphore_mem>>)
        %dma_wait3A_100 = tpu.memref_slice %arg4[%mul3A_90] : memref<16384xi32, #tpu.memory_space<hbm>> -> memref<2048xi32, #tpu.memory_space<hbm>>
        %dma_wait3A_101 = tpu.memref_slice %arg4[%mul3A_90] : memref<16384xi32, #tpu.memory_space<hbm>> -> memref<2048xi32, #tpu.memory_space<hbm>>
        tpu.wait_dma2 semaphore(%run_scoped3A : memref<!tpu.dma_semaphore, #tpu.memory_space<semaphore_mem>>) src(%dma_wait3A_101 : memref<2048xi32, #tpu.memory_space<hbm>>) dst(%arg28 : memref<2048xi32, #tpu.memory_space<vmem>>)
        tpu.yield
      }) : () -> ()
      %mul3A_91 = arith.constant 2048 : i32
      %mul3A_92 = arith.muli %scan3A_88, %mul3A_91 : i32
      "tpu.region"() ({
        %run_scoped3A = tpu.sem_alloc : memref<!tpu.dma_semaphore, #tpu.memory_space<semaphore_mem>>
        %dma_start3A_98 = tpu.memref_slice %arg7[%mul3A_92] : memref<16384xf32, #tpu.memory_space<hbm>> -> memref<2048xf32, #tpu.memory_space<hbm>>
        %dma_start3A_99 = tpu.memref_slice %arg7[%mul3A_92] : memref<16384xf32, #tpu.memory_space<hbm>> -> memref<2048xf32, #tpu.memory_space<hbm>>
        tpu.enqueue_dma source(%dma_start3A_99 : memref<2048xf32, #tpu.memory_space<hbm>>) target(%arg29 : memref<2048xf32, #tpu.memory_space<vmem>>) target_semaphore(%run_scoped3A : memref<!tpu.dma_semaphore, #tpu.memory_space<semaphore_mem>>)
        %dma_wait3A_100 = tpu.memref_slice %arg7[%mul3A_92] : memref<16384xf32, #tpu.memory_space<hbm>> -> memref<2048xf32, #tpu.memory_space<hbm>>
        %dma_wait3A_101 = tpu.memref_slice %arg7[%mul3A_92] : memref<16384xf32, #tpu.memory_space<hbm>> -> memref<2048xf32, #tpu.memory_space<hbm>>
        tpu.wait_dma2 semaphore(%run_scoped3A : memref<!tpu.dma_semaphore, #tpu.memory_space<semaphore_mem>>) src(%dma_wait3A_101 : memref<2048xf32, #tpu.memory_space<hbm>>) dst(%arg29 : memref<2048xf32, #tpu.memory_space<vmem>>)
        tpu.yield
      }) : () -> ()
      %scan3A_93 = arith.constant 0 : i32
      %scan3A_94 = arith.constant 128 : i32
      %scan3A_95 = arith.addi %scan3A_93, %scan3A_94 : i32
      %scan3A_96 = arith.constant 1 : i32
      scf.for %scan3A_98 = %scan3A_93 to %scan3A_95 step %scan3A_96  : i32 {
        %mul3A_99 = arith.constant 16 : i32
        %mul3A_100 = arith.muli %scan3A_98, %mul3A_99 : i32
        %get3A = arith.index_cast %mul3A_100 : i32 to index
        %get3A_101 = tpu.vector_load %arg28[%get3A] {strides = array<i32>} : memref<2048xi32, #tpu.memory_space<vmem>>, vector<16xi32>,
        %mul3A_102 = arith.constant 16 : i32
        %mul3A_103 = arith.muli %scan3A_98, %mul3A_102 : i32
        %get3A_104 = arith.index_cast %mul3A_103 : i32 to index
        %get3A_105 = tpu.vector_load %arg29[%get3A_104] {strides = array<i32>} : memref<2048xf32, #tpu.memory_space<vmem>>, vector<16xf32>,
        %mul3A_106 = arith.constant 16 : i32
        %mul3A_107 = vector.broadcast %mul3A_106 : i32 to vector<16xi32>
        %mul3A_108 = arith.muli %get3A_101, %mul3A_107 : vector<16xi32>
        %add3A_109 = arith.addi %mul3A_108, %iota3A : vector<16xi32>
        %masked_sort3A = arith.constant dense<true> : vector<16xi1>
        %masked_sort3A_110 = arith.constant -2147483648 : i32
        %masked_sort3A_111 = vector.broadcast %masked_sort3A_110 : i32 to vector<16xi32>
        %masked_sort3A_112 = arith.xori %add3A_109, %masked_sort3A_111 : vector<16xi32>
        %masked_sort3A_113, %masked_sort3A_114, %masked_sort3A_115 = tpu.sort %masked_sort3A_112, %get3A_105 masked %masked_sort3A : (vector<16xi32>, vector<16xf32>, vector<16xi1>) -> (vector<16xi1>, vector<16xi32>, vector<16xf32>)
        %masked_sort3A_116 = arith.xori %masked_sort3A_114, %masked_sort3A_111 : vector<16xi32>
        %shift_right_logical3A = arith.constant 4 : i32
        %shift_right_logical3A_117 = vector.broadcast %shift_right_logical3A : i32 to vector<16xi32>
        %shift_right_logical3A_118 = arith.shrui %masked_sort3A_116, %shift_right_logical3A_117 : vector<16xi32>
        %mul3A_119 = arith.constant 2048 : i32
        %mul3A_120 = arith.muli %scan3A_88, %mul3A_119 : i32
        %mul3A_121 = arith.constant 16 : i32
        %mul3A_122 = arith.muli %scan3A_98, %mul3A_121 : i32
        %add3A_123 = arith.addi %mul3A_120, %mul3A_122 : i32
        %and3A = arith.constant 15 : i32
        %and3A_124 = vector.broadcast %and3A : i32 to vector<16xi32>
        %and3A_125 = arith.andi %masked_sort3A_116, %and3A_124 : vector<16xi32>
        %add3A_126 = vector.broadcast %add3A_123 : i32 to vector<16xi32>
        %add3A_127 = arith.addi %add3A_126, %and3A_125 : vector<16xi32>
        %swap3A_128 = arith.constant 0 : index
        %swap3A_129 = tpu.vector_load %arg30[%swap3A_128] {strides = array<i32>} : memref<32xi32, #tpu.memory_space<vmem>>, vector<16xi32>,
        tpu.vector_store %arg30[%swap3A_128], %shift_right_logical3A_118 {strides = array<i32>} : memref<32xi32, #tpu.memory_space<vmem>>, vector<16xi32>,
        %get3A_130 = arith.constant 1 : index
        %get3A_131 = tpu.vector_load %arg30[%get3A_130] {strides = array<i32>} : memref<32xi32, #tpu.memory_space<vmem>>, vector<16xi32>,
        %ne3A = arith.cmpi ne, %shift_right_logical3A_118, %get3A_131 : vector<16xi32>
        %ge3A = vector.broadcast %mul3A_65 : i32 to vector<16xi32>
        %ge3A_132 = arith.cmpi sge, %shift_right_logical3A_118, %ge3A : vector<16xi32>
        %and3A_133 = arith.andi %ne3A, %ge3A_132 : vector<16xi1>
        %lt3A = vector.broadcast %add3A_71 : i32 to vector<16xi32>
        %lt3A_134 = arith.cmpi slt, %shift_right_logical3A_118, %lt3A : vector<16xi32>
        %and3A_135 = arith.andi %and3A_133, %lt3A_134 : vector<16xi1>
        %sub3A = vector.broadcast %mul3A_65 : i32 to vector<16xi32>
        %sub3A_136 = arith.subi %shift_right_logical3A_118, %sub3A : vector<16xi32>
        %jit3A_137 = arith.constant 0 : i32
        %jit3A_138 = arith.constant 6559 : i32
        %max3A = vector.broadcast %jit3A_137 : i32 to vector<16xi32>
        %max3A_139 = arith.maxsi %max3A, %sub3A_136 : vector<16xi32>
        %min3A = vector.broadcast %jit3A_138 : i32 to vector<16xi32>
        %min3A_140 = arith.minsi %min3A, %max3A_139 : vector<16xi32>
        tpu.vector_store_idx %arg26[%min3A_140], %masked_sort3A_115 masked %and3A_135 : memref<6560xf32, #tpu.memory_space<vmem>>[vector<16xi32>], vector<16xf32>, vector<16xi1>
        tpu.vector_store_idx %arg27[%min3A_140], %add3A_127 masked %and3A_135 : memref<6560xi32, #tpu.memory_space<vmem>>[vector<16xi32>], vector<16xi32>, vector<16xi1>
      }
      %scan3A_97 = arith.constant 128 : i32
    }
    %scan3A_77 = arith.constant 8 : i32
    %mul3A_78 = arith.constant 6240 : i32
    %mul3A_79 = arith.muli %add3A, %mul3A_78 : i32
    "tpu.region"() ({
      %run_scoped3A = tpu.sem_alloc : memref<!tpu.dma_semaphore, #tpu.memory_space<semaphore_mem>>
      %dma_start3A_88 = arith.constant 0 : i32
      %dma_start3A_89 = tpu.memref_slice %arg27[%dma_start3A_88] : memref<6560xi32, #tpu.memory_space<vmem>> -> memref<6240xi32, #tpu.memory_space<vmem>>
      %dma_start3A_90 = tpu.memref_slice %arg20[%mul3A_79] : memref<200000xi32, #tpu.memory_space<hbm>> -> memref<6240xi32, #tpu.memory_space<hbm>>
      %dma_start3A_91 = tpu.memref_slice %arg20[%mul3A_79] : memref<200000xi32, #tpu.memory_space<hbm>> -> memref<6240xi32, #tpu.memory_space<hbm>>
      %dma_start3A_92 = arith.constant 0 : i32
      %dma_start3A_93 = tpu.memref_slice %arg27[%dma_start3A_92] : memref<6560xi32, #tpu.memory_space<vmem>> -> memref<6240xi32, #tpu.memory_space<vmem>>
      tpu.enqueue_dma source(%dma_start3A_93 : memref<6240xi32, #tpu.memory_space<vmem>>) target(%dma_start3A_91 : memref<6240xi32, #tpu.memory_space<hbm>>) target_semaphore(%run_scoped3A : memref<!tpu.dma_semaphore, #tpu.memory_space<semaphore_mem>>)
      %dma_wait3A_94 = arith.constant 0 : i32
      %dma_wait3A_95 = tpu.memref_slice %arg27[%dma_wait3A_94] : memref<6560xi32, #tpu.memory_space<vmem>> -> memref<6240xi32, #tpu.memory_space<vmem>>
      %dma_wait3A_96 = tpu.memref_slice %arg20[%mul3A_79] : memref<200000xi32, #tpu.memory_space<hbm>> -> memref<6240xi32, #tpu.memory_space<hbm>>
      %dma_wait3A_97 = tpu.memref_slice %arg20[%mul3A_79] : memref<200000xi32, #tpu.memory_space<hbm>> -> memref<6240xi32, #tpu.memory_space<hbm>>
      %dma_wait3A_98 = arith.constant 0 : i32
      %dma_wait3A_99 = tpu.memref_slice %arg27[%dma_wait3A_98] : memref<6560xi32, #tpu.memory_space<vmem>> -> memref<6240xi32, #tpu.memory_space<vmem>>
      tpu.wait_dma2 semaphore(%run_scoped3A : memref<!tpu.dma_semaphore, #tpu.memory_space<semaphore_mem>>) src(%dma_wait3A_99 : memref<6240xi32, #tpu.memory_space<vmem>>) dst(%dma_wait3A_97 : memref<6240xi32, #tpu.memory_space<hbm>>)
      tpu.yield
    }) : () -> ()
    %convert_element_type3A_80 = arith.extui %eq3A_1 : i1 to i32
    %cond3A_81 = arith.constant 0 : i32
    %cond3A_82 = arith.cmpi ne, %convert_element_type3A_80, %cond3A_81 : i32
    scf.if %cond3A_82 {
      "tpu.region"() ({
        %run_scoped3A = tpu.sem_alloc : memref<!tpu.dma_semaphore, #tpu.memory_space<semaphore_mem>>
        %dma_start3A_88 = arith.constant 6240 : i32
        %dma_start3A_89 = tpu.memref_slice %arg27[%dma_start3A_88] : memref<6560xi32, #tpu.memory_space<vmem>> -> memref<320xi32, #tpu.memory_space<vmem>>
        %dma_start3A_90 = arith.constant 199680 : i32
        %dma_start3A_91 = tpu.memref_slice %arg20[%dma_start3A_90] : memref<200000xi32, #tpu.memory_space<hbm>> -> memref<320xi32, #tpu.memory_space<hbm>>
        %dma_start3A_92 = arith.constant 199680 : i32
        %dma_start3A_93 = tpu.memref_slice %arg20[%dma_start3A_92] : memref<200000xi32, #tpu.memory_space<hbm>> -> memref<320xi32, #tpu.memory_space<hbm>>
        %dma_start3A_94 = arith.constant 6240 : i32
        %dma_start3A_95 = tpu.memref_slice %arg27[%dma_start3A_94] : memref<6560xi32, #tpu.memory_space<vmem>> -> memref<320xi32, #tpu.memory_space<vmem>>
        tpu.enqueue_dma source(%dma_start3A_95 : memref<320xi32, #tpu.memory_space<vmem>>) target(%dma_start3A_93 : memref<320xi32, #tpu.memory_space<hbm>>) target_semaphore(%run_scoped3A : memref<!tpu.dma_semaphore, #tpu.memory_space<semaphore_mem>>)
        %dma_wait3A_96 = arith.constant 6240 : i32
        %dma_wait3A_97 = tpu.memref_slice %arg27[%dma_wait3A_96] : memref<6560xi32, #tpu.memory_space<vmem>> -> memref<320xi32, #tpu.memory_space<vmem>>
        %dma_wait3A_98 = arith.constant 199680 : i32
        %dma_wait3A_99 = tpu.memref_slice %arg20[%dma_wait3A_98] : memref<200000xi32, #tpu.memory_space<hbm>> -> memref<320xi32, #tpu.memory_space<hbm>>
        %dma_wait3A_100 = arith.constant 199680 : i32
        %dma_wait3A_101 = tpu.memref_slice %arg20[%dma_wait3A_100] : memref<200000xi32, #tpu.memory_space<hbm>> -> memref<320xi32, #tpu.memory_space<hbm>>
        %dma_wait3A_102 = arith.constant 6240 : i32
        %dma_wait3A_103 = tpu.memref_slice %arg27[%dma_wait3A_102] : memref<6560xi32, #tpu.memory_space<vmem>> -> memref<320xi32, #tpu.memory_space<vmem>>
        tpu.wait_dma2 semaphore(%run_scoped3A : memref<!tpu.dma_semaphore, #tpu.memory_space<semaphore_mem>>) src(%dma_wait3A_103 : memref<320xi32, #tpu.memory_space<vmem>>) dst(%dma_wait3A_101 : memref<320xi32, #tpu.memory_space<hbm>>)
        tpu.yield
      }) : () -> ()
    } else {
    }
    %mul3A_83 = arith.constant 6240 : i32
    %mul3A_84 = arith.muli %add3A, %mul3A_83 : i32
    "tpu.region"() ({
      %run_scoped3A = tpu.sem_alloc : memref<!tpu.dma_semaphore, #tpu.memory_space<semaphore_mem>>
      %dma_start3A_88 = arith.constant 0 : i32
      %dma_start3A_89 = tpu.memref_slice %arg26[%dma_start3A_88] : memref<6560xf32, #tpu.memory_space<vmem>> -> memref<6240xf32, #tpu.memory_space<vmem>>
      %dma_start3A_90 = tpu.memref_slice %arg17[%mul3A_84] : memref<200000xf32, #tpu.memory_space<hbm>> -> memref<6240xf32, #tpu.memory_space<hbm>>
      %dma_start3A_91 = tpu.memref_slice %arg17[%mul3A_84] : memref<200000xf32, #tpu.memory_space<hbm>> -> memref<6240xf32, #tpu.memory_space<hbm>>
      %dma_start3A_92 = arith.constant 0 : i32
      %dma_start3A_93 = tpu.memref_slice %arg26[%dma_start3A_92] : memref<6560xf32, #tpu.memory_space<vmem>> -> memref<6240xf32, #tpu.memory_space<vmem>>
      tpu.enqueue_dma source(%dma_start3A_93 : memref<6240xf32, #tpu.memory_space<vmem>>) target(%dma_start3A_91 : memref<6240xf32, #tpu.memory_space<hbm>>) target_semaphore(%run_scoped3A : memref<!tpu.dma_semaphore, #tpu.memory_space<semaphore_mem>>)
      %dma_wait3A_94 = arith.constant 0 : i32
      %dma_wait3A_95 = tpu.memref_slice %arg26[%dma_wait3A_94] : memref<6560xf32, #tpu.memory_space<vmem>> -> memref<6240xf32, #tpu.memory_space<vmem>>
      %dma_wait3A_96 = tpu.memref_slice %arg17[%mul3A_84] : memref<200000xf32, #tpu.memory_space<hbm>> -> memref<6240xf32, #tpu.memory_space<hbm>>
      %dma_wait3A_97 = tpu.memref_slice %arg17[%mul3A_84] : memref<200000xf32, #tpu.memory_space<hbm>> -> memref<6240xf32, #tpu.memory_space<hbm>>
      %dma_wait3A_98 = arith.constant 0 : i32
      %dma_wait3A_99 = tpu.memref_slice %arg26[%dma_wait3A_98] : memref<6560xf32, #tpu.memory_space<vmem>> -> memref<6240xf32, #tpu.memory_space<vmem>>
      tpu.wait_dma2 semaphore(%run_scoped3A : memref<!tpu.dma_semaphore, #tpu.memory_space<semaphore_mem>>) src(%dma_wait3A_99 : memref<6240xf32, #tpu.memory_space<vmem>>) dst(%dma_wait3A_97 : memref<6240xf32, #tpu.memory_space<hbm>>)
      tpu.yield
    }) : () -> ()
    %convert_element_type3A_85 = arith.extui %eq3A_1 : i1 to i32
    %cond3A_86 = arith.constant 0 : i32
    %cond3A_87 = arith.cmpi ne, %convert_element_type3A_85, %cond3A_86 : i32
    scf.if %cond3A_87 {
      "tpu.region"() ({
        %run_scoped3A = tpu.sem_alloc : memref<!tpu.dma_semaphore, #tpu.memory_space<semaphore_mem>>
        %dma_start3A_88 = arith.constant 6240 : i32
        %dma_start3A_89 = tpu.memref_slice %arg26[%dma_start3A_88] : memref<6560xf32, #tpu.memory_space<vmem>> -> memref<320xf32, #tpu.memory_space<vmem>>
        %dma_start3A_90 = arith.constant 199680 : i32
        %dma_start3A_91 = tpu.memref_slice %arg17[%dma_start3A_90] : memref<200000xf32, #tpu.memory_space<hbm>> -> memref<320xf32, #tpu.memory_space<hbm>>
        %dma_start3A_92 = arith.constant 199680 : i32
        %dma_start3A_93 = tpu.memref_slice %arg17[%dma_start3A_92] : memref<200000xf32, #tpu.memory_space<hbm>> -> memref<320xf32, #tpu.memory_space<hbm>>
        %dma_start3A_94 = arith.constant 6240 : i32
        %dma_start3A_95 = tpu.memref_slice %arg26[%dma_start3A_94] : memref<6560xf32, #tpu.memory_space<vmem>> -> memref<320xf32, #tpu.memory_space<vmem>>
        tpu.enqueue_dma source(%dma_start3A_95 : memref<320xf32, #tpu.memory_space<vmem>>) target(%dma_start3A_93 : memref<320xf32, #tpu.memory_space<hbm>>) target_semaphore(%run_scoped3A : memref<!tpu.dma_semaphore, #tpu.memory_space<semaphore_mem>>)
        %dma_wait3A_96 = arith.constant 6240 : i32
        %dma_wait3A_97 = tpu.memref_slice %arg26[%dma_wait3A_96] : memref<6560xf32, #tpu.memory_space<vmem>> -> memref<320xf32, #tpu.memory_space<vmem>>
        %dma_wait3A_98 = arith.constant 199680 : i32
        %dma_wait3A_99 = tpu.memref_slice %arg17[%dma_wait3A_98] : memref<200000xf32, #tpu.memory_space<hbm>> -> memref<320xf32, #tpu.memory_space<hbm>>
        %dma_wait3A_100 = arith.constant 199680 : i32
        %dma_wait3A_101 = tpu.memref_slice %arg17[%dma_wait3A_100] : memref<200000xf32, #tpu.memory_space<hbm>> -> memref<320xf32, #tpu.memory_space<hbm>>
        %dma_wait3A_102 = arith.constant 6240 : i32
        %dma_wait3A_103 = tpu.memref_slice %arg26[%dma_wait3A_102] : memref<6560xf32, #tpu.memory_space<vmem>> -> memref<320xf32, #tpu.memory_space<vmem>>
        tpu.wait_dma2 semaphore(%run_scoped3A : memref<!tpu.dma_semaphore, #tpu.memory_space<semaphore_mem>>) src(%dma_wait3A_103 : memref<320xf32, #tpu.memory_space<vmem>>) dst(%dma_wait3A_101 : memref<320xf32, #tpu.memory_space<hbm>>)
        tpu.yield
      }) : () -> ()
    } else {
    }
    return
  }
}

module attributes {stable_mosaic.version = 14 : i64} {
  func.func @_gru_body(%arg0: i32, %arg1: memref<2048x64xf32, #tpu.memory_space<vmem>>, %arg2: memref<2048x64xf32, #tpu.memory_space<vmem>>, %arg3: memref<2048x64xf32, #tpu.memory_space<vmem>>, %arg4: memref<2048x64xf32, #tpu.memory_space<vmem>>, %arg5: memref<2048x64xf32, #tpu.memory_space<vmem>>, %arg6: memref<2048x64xf32, #tpu.memory_space<vmem>>, %arg7: memref<64x192xf32, #tpu.memory_space<vmem>>, %arg8: memref<64x192xf32, #tpu.memory_space<vmem>>, %arg9: memref<1x192xf32, #tpu.memory_space<vmem>>, %arg10: memref<1x192xf32, #tpu.memory_space<vmem>>, %arg11: memref<64x192xf32, #tpu.memory_space<vmem>>, %arg12: memref<64x192xf32, #tpu.memory_space<vmem>>, %arg13: memref<1x192xf32, #tpu.memory_space<vmem>>, %arg14: memref<1x192xf32, #tpu.memory_space<vmem>>, %arg15: memref<64x192xf32, #tpu.memory_space<vmem>>, %arg16: memref<64x192xf32, #tpu.memory_space<vmem>>, %arg17: memref<1x192xf32, #tpu.memory_space<vmem>>, %arg18: memref<1x192xf32, #tpu.memory_space<vmem>>, %arg19: memref<2048x64xf32, #tpu.memory_space<vmem>>, %arg20: memref<2048x64xf32, #tpu.memory_space<vmem>>, %arg21: memref<2048x64xf32, #tpu.memory_space<vmem>>) attributes {dimension_semantics = [#tpu.dimension_semantics<arbitrary>], iteration_bounds = array<i64: 8>, scalar_prefetch = 0 : i64, scratch_operands = 0 : i64, tpu.core_type = #tpu.core_type<tc>, window_params = [{transform_indices = @transform_0, window_bounds = array<i64: 2048, 64>}, {transform_indices = @transform_1, window_bounds = array<i64: 2048, 64>}, {transform_indices = @transform_2, window_bounds = array<i64: 2048, 64>}, {transform_indices = @transform_3, window_bounds = array<i64: 2048, 64>}, {transform_indices = @transform_4, window_bounds = array<i64: 2048, 64>}, {transform_indices = @transform_5, window_bounds = array<i64: 2048, 64>}, {pipeline_mode = #tpu.pipeline_mode<synchronous>, transform_indices = @transform_6, window_bounds = array<i64: 64, 192>}, {pipeline_mode = #tpu.pipeline_mode<synchronous>, transform_indices = @transform_7, window_bounds = array<i64: 64, 192>}, {pipeline_mode = #tpu.pipeline_mode<synchronous>, transform_indices = @transform_8, window_bounds = array<i64: 1, 192>}, {pipeline_mode = #tpu.pipeline_mode<synchronous>, transform_indices = @transform_9, window_bounds = array<i64: 1, 192>}, {pipeline_mode = #tpu.pipeline_mode<synchronous>, transform_indices = @transform_10, window_bounds = array<i64: 64, 192>}, {pipeline_mode = #tpu.pipeline_mode<synchronous>, transform_indices = @transform_11, window_bounds = array<i64: 64, 192>}, {pipeline_mode = #tpu.pipeline_mode<synchronous>, transform_indices = @transform_12, window_bounds = array<i64: 1, 192>}, {pipeline_mode = #tpu.pipeline_mode<synchronous>, transform_indices = @transform_13, window_bounds = array<i64: 1, 192>}, {pipeline_mode = #tpu.pipeline_mode<synchronous>, transform_indices = @transform_14, window_bounds = array<i64: 64, 192>}, {pipeline_mode = #tpu.pipeline_mode<synchronous>, transform_indices = @transform_15, window_bounds = array<i64: 64, 192>}, {pipeline_mode = #tpu.pipeline_mode<synchronous>, transform_indices = @transform_16, window_bounds = array<i64: 1, 192>}, {pipeline_mode = #tpu.pipeline_mode<synchronous>, transform_indices = @transform_17, window_bounds = array<i64: 1, 192>}, {transform_indices = @transform_18, window_bounds = array<i64: 2048, 64>}, {transform_indices = @transform_19, window_bounds = array<i64: 2048, 64>}, {transform_indices = @transform_20, window_bounds = array<i64: 2048, 64>}]} {
    %get3A = arith.constant 0 : index
    %get3A_0 = arith.constant 0 : index
    %get3A_1 = vector.load %arg1[%get3A, %get3A_0] : memref<2048x64xf32, #tpu.memory_space<vmem>>, vector<2048x64xf32>
    %get3A_2 = arith.constant 0 : index
    %get3A_3 = arith.constant 0 : index
    %get3A_4 = vector.load %arg2[%get3A_2, %get3A_3] : memref<2048x64xf32, #tpu.memory_space<vmem>>, vector<2048x64xf32>
    %get3A_5 = arith.constant 0 : index
    %get3A_6 = arith.constant 0 : index
    %get3A_7 = vector.load %arg7[%get3A_5, %get3A_6] : memref<64x192xf32, #tpu.memory_space<vmem>>, vector<64x192xf32>
    %dot_general3A = arith.constant dense<0.000000e+00> : vector<2048x192xf32>
    %dot_general3A_8 = tpu.matmul %get3A_1, %get3A_7, %dot_general3A {dimension_numbers = #tpu.dot_dimension_numbers<[1], [0], [0], [1], [0, 0, 1, 1], [], []>, transpose_lhs_hint = false} : vector<2048x64xf32>, vector<64x192xf32>, vector<2048x192xf32> -> vector<2048x192xf32>
    %get3A_9 = arith.constant 0 : index
    %get3A_10 = arith.constant 0 : index
    %get3A_11 = vector.load %arg9[%get3A_9, %get3A_10] : memref<1x192xf32, #tpu.memory_space<vmem>>, vector<1x192xf32>
    %add3A = vector.broadcast %get3A_11 : vector<1x192xf32> to vector<2048x192xf32>
    %add3A_12 = arith.addf %dot_general3A_8, %add3A : vector<2048x192xf32>
    %get3A_13 = arith.constant 0 : index
    %get3A_14 = arith.constant 0 : index
    %get3A_15 = vector.load %arg8[%get3A_13, %get3A_14] : memref<64x192xf32, #tpu.memory_space<vmem>>, vector<64x192xf32>
    %dot_general3A_16 = arith.constant dense<0.000000e+00> : vector<2048x192xf32>
    %dot_general3A_17 = tpu.matmul %get3A_4, %get3A_15, %dot_general3A_16 {dimension_numbers = #tpu.dot_dimension_numbers<[1], [0], [0], [1], [0, 0, 1, 1], [], []>, transpose_lhs_hint = false} : vector<2048x64xf32>, vector<64x192xf32>, vector<2048x192xf32> -> vector<2048x192xf32>
    %get3A_18 = arith.constant 0 : index
    %get3A_19 = arith.constant 0 : index
    %get3A_20 = vector.load %arg10[%get3A_18, %get3A_19] : memref<1x192xf32, #tpu.memory_space<vmem>>, vector<1x192xf32>
    %add3A_21 = vector.broadcast %get3A_20 : vector<1x192xf32> to vector<2048x192xf32>
    %add3A_22 = arith.addf %dot_general3A_17, %add3A_21 : vector<2048x192xf32>
    %slice3A = vector.extract_strided_slice %add3A_12 {offsets = [0, 0], sizes = [2048, 64], strides = [1, 1]} : vector<2048x192xf32> to vector<2048x64xf32>
    %slice3A_23 = vector.extract_strided_slice %add3A_22 {offsets = [0, 0], sizes = [2048, 64], strides = [1, 1]} : vector<2048x192xf32> to vector<2048x64xf32>
    %add3A_24 = arith.addf %slice3A, %slice3A_23 : vector<2048x64xf32>
    %logistic3A = arith.negf %add3A_24 : vector<2048x64xf32>
    %logistic3A_25 = math.exp %logistic3A : vector<2048x64xf32>
    %logistic3A_26 = arith.constant 1.000000e+00 : f32
    %logistic3A_27 = vector.broadcast %logistic3A_26 : f32 to vector<2048x64xf32>
    %logistic3A_28 = arith.addf %logistic3A_27, %logistic3A_25 : vector<2048x64xf32>
    %logistic3A_29 = arith.divf %logistic3A_27, %logistic3A_28 : vector<2048x64xf32>
    %slice3A_30 = vector.extract_strided_slice %add3A_12 {offsets = [0, 64], sizes = [2048, 64], strides = [1, 1]} : vector<2048x192xf32> to vector<2048x64xf32>
    %slice3A_31 = vector.extract_strided_slice %add3A_22 {offsets = [0, 64], sizes = [2048, 64], strides = [1, 1]} : vector<2048x192xf32> to vector<2048x64xf32>
    %add3A_32 = arith.addf %slice3A_30, %slice3A_31 : vector<2048x64xf32>
    %logistic3A_33 = arith.negf %add3A_32 : vector<2048x64xf32>
    %logistic3A_34 = math.exp %logistic3A_33 : vector<2048x64xf32>
    %logistic3A_35 = arith.constant 1.000000e+00 : f32
    %logistic3A_36 = vector.broadcast %logistic3A_35 : f32 to vector<2048x64xf32>
    %logistic3A_37 = arith.addf %logistic3A_36, %logistic3A_34 : vector<2048x64xf32>
    %logistic3A_38 = arith.divf %logistic3A_36, %logistic3A_37 : vector<2048x64xf32>
    %slice3A_39 = vector.extract_strided_slice %add3A_12 {offsets = [0, 128], sizes = [2048, 64], strides = [1, 1]} : vector<2048x192xf32> to vector<2048x64xf32>
    %slice3A_40 = vector.extract_strided_slice %add3A_22 {offsets = [0, 128], sizes = [2048, 64], strides = [1, 1]} : vector<2048x192xf32> to vector<2048x64xf32>
    %mul3A = arith.mulf %logistic3A_29, %slice3A_40 : vector<2048x64xf32>
    %add3A_41 = arith.addf %slice3A_39, %mul3A : vector<2048x64xf32>
    %tanh3A = math.tanh %add3A_41 : vector<2048x64xf32>
    %sub3A = arith.constant 1.000000e+00 : f32
    %sub3A_42 = vector.broadcast %sub3A : f32 to vector<2048x64xf32>
    %sub3A_43 = arith.subf %sub3A_42, %logistic3A_38 : vector<2048x64xf32>
    %mul3A_44 = arith.mulf %sub3A_43, %tanh3A : vector<2048x64xf32>
    %mul3A_45 = arith.mulf %logistic3A_38, %get3A_4 : vector<2048x64xf32>
    %add3A_46 = arith.addf %mul3A_44, %mul3A_45 : vector<2048x64xf32>
    %swap3A = arith.constant 0 : index
    %swap3A_47 = arith.constant 0 : index
    %swap3A_48 = vector.load %arg19[%swap3A, %swap3A_47] : memref<2048x64xf32, #tpu.memory_space<vmem>>, vector<2048x64xf32>
    tpu.vector_store %arg19[%swap3A, %swap3A_47], %add3A_46 {strides = array<i32>} : memref<2048x64xf32, #tpu.memory_space<vmem>>, vector<2048x64xf32>,
    %get3A_49 = arith.constant 0 : index
    %get3A_50 = arith.constant 0 : index
    %get3A_51 = vector.load %arg3[%get3A_49, %get3A_50] : memref<2048x64xf32, #tpu.memory_space<vmem>>, vector<2048x64xf32>
    %get3A_52 = arith.constant 0 : index
    %get3A_53 = arith.constant 0 : index
    %get3A_54 = vector.load %arg4[%get3A_52, %get3A_53] : memref<2048x64xf32, #tpu.memory_space<vmem>>, vector<2048x64xf32>
    %get3A_55 = arith.constant 0 : index
    %get3A_56 = arith.constant 0 : index
    %get3A_57 = vector.load %arg11[%get3A_55, %get3A_56] : memref<64x192xf32, #tpu.memory_space<vmem>>, vector<64x192xf32>
    %dot_general3A_58 = arith.constant dense<0.000000e+00> : vector<2048x192xf32>
    %dot_general3A_59 = tpu.matmul %get3A_51, %get3A_57, %dot_general3A_58 {dimension_numbers = #tpu.dot_dimension_numbers<[1], [0], [0], [1], [0, 0, 1, 1], [], []>, transpose_lhs_hint = false} : vector<2048x64xf32>, vector<64x192xf32>, vector<2048x192xf32> -> vector<2048x192xf32>
    %get3A_60 = arith.constant 0 : index
    %get3A_61 = arith.constant 0 : index
    %get3A_62 = vector.load %arg13[%get3A_60, %get3A_61] : memref<1x192xf32, #tpu.memory_space<vmem>>, vector<1x192xf32>
    %add3A_63 = vector.broadcast %get3A_62 : vector<1x192xf32> to vector<2048x192xf32>
    %add3A_64 = arith.addf %dot_general3A_59, %add3A_63 : vector<2048x192xf32>
    %get3A_65 = arith.constant 0 : index
    %get3A_66 = arith.constant 0 : index
    %get3A_67 = vector.load %arg12[%get3A_65, %get3A_66] : memref<64x192xf32, #tpu.memory_space<vmem>>, vector<64x192xf32>
    %dot_general3A_68 = arith.constant dense<0.000000e+00> : vector<2048x192xf32>
    %dot_general3A_69 = tpu.matmul %get3A_54, %get3A_67, %dot_general3A_68 {dimension_numbers = #tpu.dot_dimension_numbers<[1], [0], [0], [1], [0, 0, 1, 1], [], []>, transpose_lhs_hint = false} : vector<2048x64xf32>, vector<64x192xf32>, vector<2048x192xf32> -> vector<2048x192xf32>
    %get3A_70 = arith.constant 0 : index
    %get3A_71 = arith.constant 0 : index
    %get3A_72 = vector.load %arg14[%get3A_70, %get3A_71] : memref<1x192xf32, #tpu.memory_space<vmem>>, vector<1x192xf32>
    %add3A_73 = vector.broadcast %get3A_72 : vector<1x192xf32> to vector<2048x192xf32>
    %add3A_74 = arith.addf %dot_general3A_69, %add3A_73 : vector<2048x192xf32>
    %slice3A_75 = vector.extract_strided_slice %add3A_64 {offsets = [0, 0], sizes = [2048, 64], strides = [1, 1]} : vector<2048x192xf32> to vector<2048x64xf32>
    %slice3A_76 = vector.extract_strided_slice %add3A_74 {offsets = [0, 0], sizes = [2048, 64], strides = [1, 1]} : vector<2048x192xf32> to vector<2048x64xf32>
    %add3A_77 = arith.addf %slice3A_75, %slice3A_76 : vector<2048x64xf32>
    %logistic3A_78 = arith.negf %add3A_77 : vector<2048x64xf32>
    %logistic3A_79 = math.exp %logistic3A_78 : vector<2048x64xf32>
    %logistic3A_80 = arith.constant 1.000000e+00 : f32
    %logistic3A_81 = vector.broadcast %logistic3A_80 : f32 to vector<2048x64xf32>
    %logistic3A_82 = arith.addf %logistic3A_81, %logistic3A_79 : vector<2048x64xf32>
    %logistic3A_83 = arith.divf %logistic3A_81, %logistic3A_82 : vector<2048x64xf32>
    %slice3A_84 = vector.extract_strided_slice %add3A_64 {offsets = [0, 64], sizes = [2048, 64], strides = [1, 1]} : vector<2048x192xf32> to vector<2048x64xf32>
    %slice3A_85 = vector.extract_strided_slice %add3A_74 {offsets = [0, 64], sizes = [2048, 64], strides = [1, 1]} : vector<2048x192xf32> to vector<2048x64xf32>
    %add3A_86 = arith.addf %slice3A_84, %slice3A_85 : vector<2048x64xf32>
    %logistic3A_87 = arith.negf %add3A_86 : vector<2048x64xf32>
    %logistic3A_88 = math.exp %logistic3A_87 : vector<2048x64xf32>
    %logistic3A_89 = arith.constant 1.000000e+00 : f32
    %logistic3A_90 = vector.broadcast %logistic3A_89 : f32 to vector<2048x64xf32>
    %logistic3A_91 = arith.addf %logistic3A_90, %logistic3A_88 : vector<2048x64xf32>
    %logistic3A_92 = arith.divf %logistic3A_90, %logistic3A_91 : vector<2048x64xf32>
    %slice3A_93 = vector.extract_strided_slice %add3A_64 {offsets = [0, 128], sizes = [2048, 64], strides = [1, 1]} : vector<2048x192xf32> to vector<2048x64xf32>
    %slice3A_94 = vector.extract_strided_slice %add3A_74 {offsets = [0, 128], sizes = [2048, 64], strides = [1, 1]} : vector<2048x192xf32> to vector<2048x64xf32>
    %mul3A_95 = arith.mulf %logistic3A_83, %slice3A_94 : vector<2048x64xf32>
    %add3A_96 = arith.addf %slice3A_93, %mul3A_95 : vector<2048x64xf32>
    %tanh3A_97 = math.tanh %add3A_96 : vector<2048x64xf32>
    %sub3A_98 = arith.constant 1.000000e+00 : f32
    %sub3A_99 = vector.broadcast %sub3A_98 : f32 to vector<2048x64xf32>
    %sub3A_100 = arith.subf %sub3A_99, %logistic3A_92 : vector<2048x64xf32>
    %mul3A_101 = arith.mulf %sub3A_100, %tanh3A_97 : vector<2048x64xf32>
    %mul3A_102 = arith.mulf %logistic3A_92, %get3A_54 : vector<2048x64xf32>
    %add3A_103 = arith.addf %mul3A_101, %mul3A_102 : vector<2048x64xf32>
    %swap3A_104 = arith.constant 0 : index
    %swap3A_105 = arith.constant 0 : index
    %swap3A_106 = vector.load %arg20[%swap3A_104, %swap3A_105] : memref<2048x64xf32, #tpu.memory_space<vmem>>, vector<2048x64xf32>
    tpu.vector_store %arg20[%swap3A_104, %swap3A_105], %add3A_103 {strides = array<i32>} : memref<2048x64xf32, #tpu.memory_space<vmem>>, vector<2048x64xf32>,
    %get3A_107 = arith.constant 0 : index
    %get3A_108 = arith.constant 0 : index
    %get3A_109 = vector.load %arg5[%get3A_107, %get3A_108] : memref<2048x64xf32, #tpu.memory_space<vmem>>, vector<2048x64xf32>
    %get3A_110 = arith.constant 0 : index
    %get3A_111 = arith.constant 0 : index
    %get3A_112 = vector.load %arg6[%get3A_110, %get3A_111] : memref<2048x64xf32, #tpu.memory_space<vmem>>, vector<2048x64xf32>
    %get3A_113 = arith.constant 0 : index
    %get3A_114 = arith.constant 0 : index
    %get3A_115 = vector.load %arg15[%get3A_113, %get3A_114] : memref<64x192xf32, #tpu.memory_space<vmem>>, vector<64x192xf32>
    %dot_general3A_116 = arith.constant dense<0.000000e+00> : vector<2048x192xf32>
    %dot_general3A_117 = tpu.matmul %get3A_109, %get3A_115, %dot_general3A_116 {dimension_numbers = #tpu.dot_dimension_numbers<[1], [0], [0], [1], [0, 0, 1, 1], [], []>, transpose_lhs_hint = false} : vector<2048x64xf32>, vector<64x192xf32>, vector<2048x192xf32> -> vector<2048x192xf32>
    %get3A_118 = arith.constant 0 : index
    %get3A_119 = arith.constant 0 : index
    %get3A_120 = vector.load %arg17[%get3A_118, %get3A_119] : memref<1x192xf32, #tpu.memory_space<vmem>>, vector<1x192xf32>
    %add3A_121 = vector.broadcast %get3A_120 : vector<1x192xf32> to vector<2048x192xf32>
    %add3A_122 = arith.addf %dot_general3A_117, %add3A_121 : vector<2048x192xf32>
    %get3A_123 = arith.constant 0 : index
    %get3A_124 = arith.constant 0 : index
    %get3A_125 = vector.load %arg16[%get3A_123, %get3A_124] : memref<64x192xf32, #tpu.memory_space<vmem>>, vector<64x192xf32>
    %dot_general3A_126 = arith.constant dense<0.000000e+00> : vector<2048x192xf32>
    %dot_general3A_127 = tpu.matmul %get3A_112, %get3A_125, %dot_general3A_126 {dimension_numbers = #tpu.dot_dimension_numbers<[1], [0], [0], [1], [0, 0, 1, 1], [], []>, transpose_lhs_hint = false} : vector<2048x64xf32>, vector<64x192xf32>, vector<2048x192xf32> -> vector<2048x192xf32>
    %get3A_128 = arith.constant 0 : index
    %get3A_129 = arith.constant 0 : index
    %get3A_130 = vector.load %arg18[%get3A_128, %get3A_129] : memref<1x192xf32, #tpu.memory_space<vmem>>, vector<1x192xf32>
    %add3A_131 = vector.broadcast %get3A_130 : vector<1x192xf32> to vector<2048x192xf32>
    %add3A_132 = arith.addf %dot_general3A_127, %add3A_131 : vector<2048x192xf32>
    %slice3A_133 = vector.extract_strided_slice %add3A_122 {offsets = [0, 0], sizes = [2048, 64], strides = [1, 1]} : vector<2048x192xf32> to vector<2048x64xf32>
    %slice3A_134 = vector.extract_strided_slice %add3A_132 {offsets = [0, 0], sizes = [2048, 64], strides = [1, 1]} : vector<2048x192xf32> to vector<2048x64xf32>
    %add3A_135 = arith.addf %slice3A_133, %slice3A_134 : vector<2048x64xf32>
    %logistic3A_136 = arith.negf %add3A_135 : vector<2048x64xf32>
    %logistic3A_137 = math.exp %logistic3A_136 : vector<2048x64xf32>
    %logistic3A_138 = arith.constant 1.000000e+00 : f32
    %logistic3A_139 = vector.broadcast %logistic3A_138 : f32 to vector<2048x64xf32>
    %logistic3A_140 = arith.addf %logistic3A_139, %logistic3A_137 : vector<2048x64xf32>
    %logistic3A_141 = arith.divf %logistic3A_139, %logistic3A_140 : vector<2048x64xf32>
    %slice3A_142 = vector.extract_strided_slice %add3A_122 {offsets = [0, 64], sizes = [2048, 64], strides = [1, 1]} : vector<2048x192xf32> to vector<2048x64xf32>
    %slice3A_143 = vector.extract_strided_slice %add3A_132 {offsets = [0, 64], sizes = [2048, 64], strides = [1, 1]} : vector<2048x192xf32> to vector<2048x64xf32>
    %add3A_144 = arith.addf %slice3A_142, %slice3A_143 : vector<2048x64xf32>
    %logistic3A_145 = arith.negf %add3A_144 : vector<2048x64xf32>
    %logistic3A_146 = math.exp %logistic3A_145 : vector<2048x64xf32>
    %logistic3A_147 = arith.constant 1.000000e+00 : f32
    %logistic3A_148 = vector.broadcast %logistic3A_147 : f32 to vector<2048x64xf32>
    %logistic3A_149 = arith.addf %logistic3A_148, %logistic3A_146 : vector<2048x64xf32>
    %logistic3A_150 = arith.divf %logistic3A_148, %logistic3A_149 : vector<2048x64xf32>
    %slice3A_151 = vector.extract_strided_slice %add3A_122 {offsets = [0, 128], sizes = [2048, 64], strides = [1, 1]} : vector<2048x192xf32> to vector<2048x64xf32>
    %slice3A_152 = vector.extract_strided_slice %add3A_132 {offsets = [0, 128], sizes = [2048, 64], strides = [1, 1]} : vector<2048x192xf32> to vector<2048x64xf32>
    %mul3A_153 = arith.mulf %logistic3A_141, %slice3A_152 : vector<2048x64xf32>
    %add3A_154 = arith.addf %slice3A_151, %mul3A_153 : vector<2048x64xf32>
    %tanh3A_155 = math.tanh %add3A_154 : vector<2048x64xf32>
    %sub3A_156 = arith.constant 1.000000e+00 : f32
    %sub3A_157 = vector.broadcast %sub3A_156 : f32 to vector<2048x64xf32>
    %sub3A_158 = arith.subf %sub3A_157, %logistic3A_150 : vector<2048x64xf32>
    %mul3A_159 = arith.mulf %sub3A_158, %tanh3A_155 : vector<2048x64xf32>
    %mul3A_160 = arith.mulf %logistic3A_150, %get3A_112 : vector<2048x64xf32>
    %add3A_161 = arith.addf %mul3A_159, %mul3A_160 : vector<2048x64xf32>
    %swap3A_162 = arith.constant 0 : index
    %swap3A_163 = arith.constant 0 : index
    %swap3A_164 = vector.load %arg21[%swap3A_162, %swap3A_163] : memref<2048x64xf32, #tpu.memory_space<vmem>>, vector<2048x64xf32>
    tpu.vector_store %arg21[%swap3A_162, %swap3A_163], %add3A_161 {strides = array<i32>} : memref<2048x64xf32, #tpu.memory_space<vmem>>, vector<2048x64xf32>,
    return
  }
  func.func @transform_0(%arg0: i32) -> (i32, i32) {
    %c0_i32 = arith.constant 0 : i32
    %c0_i32_0 = arith.constant 0 : i32
    return %arg0, %c0_i32 : i32, i32
  }
  func.func @transform_1(%arg0: i32) -> (i32, i32) {
    %c0_i32 = arith.constant 0 : i32
    %c0_i32_0 = arith.constant 0 : i32
    return %arg0, %c0_i32 : i32, i32
  }
  func.func @transform_2(%arg0: i32) -> (i32, i32) {
    %c0_i32 = arith.constant 0 : i32
    %c0_i32_0 = arith.constant 0 : i32
    return %arg0, %c0_i32 : i32, i32
  }
  func.func @transform_3(%arg0: i32) -> (i32, i32) {
    %c0_i32 = arith.constant 0 : i32
    %c0_i32_0 = arith.constant 0 : i32
    return %arg0, %c0_i32 : i32, i32
  }
  func.func @transform_4(%arg0: i32) -> (i32, i32) {
    %c0_i32 = arith.constant 0 : i32
    %c0_i32_0 = arith.constant 0 : i32
    return %arg0, %c0_i32 : i32, i32
  }
  func.func @transform_5(%arg0: i32) -> (i32, i32) {
    %c0_i32 = arith.constant 0 : i32
    %c0_i32_0 = arith.constant 0 : i32
    return %arg0, %c0_i32 : i32, i32
  }
  func.func @transform_6(%arg0: i32) -> (i32, i32) {
    %c0_i32 = arith.constant 0 : i32
    %c0_i32_0 = arith.constant 0 : i32
    %c0_i32_1 = arith.constant 0 : i32
    return %c0_i32, %c0_i32_0 : i32, i32
  }
  func.func @transform_7(%arg0: i32) -> (i32, i32) {
    %c0_i32 = arith.constant 0 : i32
    %c0_i32_0 = arith.constant 0 : i32
    %c0_i32_1 = arith.constant 0 : i32
    return %c0_i32, %c0_i32_0 : i32, i32
  }
  func.func @transform_8(%arg0: i32) -> (i32, i32) {
    %c0_i32 = arith.constant 0 : i32
    %c0_i32_0 = arith.constant 0 : i32
    %c0_i32_1 = arith.constant 0 : i32
    return %c0_i32, %c0_i32_0 : i32, i32
  }
  func.func @transform_9(%arg0: i32) -> (i32, i32) {
    %c0_i32 = arith.constant 0 : i32
    %c0_i32_0 = arith.constant 0 : i32
    %c0_i32_1 = arith.constant 0 : i32
    return %c0_i32, %c0_i32_0 : i32, i32
  }
  func.func @transform_10(%arg0: i32) -> (i32, i32) {
    %c0_i32 = arith.constant 0 : i32
    %c0_i32_0 = arith.constant 0 : i32
    %c0_i32_1 = arith.constant 0 : i32
    return %c0_i32, %c0_i32_0 : i32, i32
  }
  func.func @transform_11(%arg0: i32) -> (i32, i32) {
    %c0_i32 = arith.constant 0 : i32
    %c0_i32_0 = arith.constant 0 : i32
    %c0_i32_1 = arith.constant 0 : i32
    return %c0_i32, %c0_i32_0 : i32, i32
  }
  func.func @transform_12(%arg0: i32) -> (i32, i32) {
    %c0_i32 = arith.constant 0 : i32
    %c0_i32_0 = arith.constant 0 : i32
    %c0_i32_1 = arith.constant 0 : i32
    return %c0_i32, %c0_i32_0 : i32, i32
  }
  func.func @transform_13(%arg0: i32) -> (i32, i32) {
    %c0_i32 = arith.constant 0 : i32
    %c0_i32_0 = arith.constant 0 : i32
    %c0_i32_1 = arith.constant 0 : i32
    return %c0_i32, %c0_i32_0 : i32, i32
  }
  func.func @transform_14(%arg0: i32) -> (i32, i32) {
    %c0_i32 = arith.constant 0 : i32
    %c0_i32_0 = arith.constant 0 : i32
    %c0_i32_1 = arith.constant 0 : i32
    return %c0_i32, %c0_i32_0 : i32, i32
  }
  func.func @transform_15(%arg0: i32) -> (i32, i32) {
    %c0_i32 = arith.constant 0 : i32
    %c0_i32_0 = arith.constant 0 : i32
    %c0_i32_1 = arith.constant 0 : i32
    return %c0_i32, %c0_i32_0 : i32, i32
  }
  func.func @transform_16(%arg0: i32) -> (i32, i32) {
    %c0_i32 = arith.constant 0 : i32
    %c0_i32_0 = arith.constant 0 : i32
    %c0_i32_1 = arith.constant 0 : i32
    return %c0_i32, %c0_i32_0 : i32, i32
  }
  func.func @transform_17(%arg0: i32) -> (i32, i32) {
    %c0_i32 = arith.constant 0 : i32
    %c0_i32_0 = arith.constant 0 : i32
    %c0_i32_1 = arith.constant 0 : i32
    return %c0_i32, %c0_i32_0 : i32, i32
  }
  func.func @transform_18(%arg0: i32) -> (i32, i32) {
    %c0_i32 = arith.constant 0 : i32
    %c0_i32_0 = arith.constant 0 : i32
    return %arg0, %c0_i32 : i32, i32
  }
  func.func @transform_19(%arg0: i32) -> (i32, i32) {
    %c0_i32 = arith.constant 0 : i32
    %c0_i32_0 = arith.constant 0 : i32
    return %arg0, %c0_i32 : i32, i32
  }
  func.func @transform_20(%arg0: i32) -> (i32, i32) {
    %c0_i32 = arith.constant 0 : i32
    %c0_i32_0 = arith.constant 0 : i32
    return %arg0, %c0_i32 : i32, i32
  }
}

</mosaic_0001>

<sc_bundles>
// kernel: kernel.5.cloned.1.call-start
scs
__scs_entry_jumppad:
0x0: {  	(pc) =	sbr.rel $0x88, $3  }
0x1: {  	(tag) =	ssettag $0x0;
	lr =	simm.s32 $0x1  }
0x2: {  	[smem:$0x3F87] =	sst lr;
	_ =	strace $0xD0000000  }
0x3: {  	_ = 	snop  }
0x4: {  	_ = 	snop  }
0x5: {  	_ = 	snop  }
0x6: {  	_ = 	snop  }
0x7: {  	_ = 	snop  }
__scs_overlays_trampoline_lowered:
0x8: {  	[smem:$0x3F96] =	sst s0  }
0x9: {  	[smem:$0x3F97] =	sst s1  }
0xa: {  	[smem:$0x3F98] =	sst s2  }
0xb: {  	[smem:$0x3F99] =	sst s3  }
0xc: {  	[smem:$0x3F9A] =	sst s4  }
0xd: {  	[smem:$0x3F9B] =	sst s5  }
0xe: {  	[smem:$0x3F9C] =	sst s6  }
0xf: {  	[smem:$0x3F9D] =	sst s7  }
0x10: {  	[smem:$0x3F9E] =	sst s8  }
0x11: {  	[smem:$0x3F9F] =	sst s9;
	s0 =	simm.s32 @!p0 $0x0  }
0x12: {  	s1 =	sld [smem:$0x3F85];
	s0 =	simm.s32 @p0 $0x1  }
0x13: {  	[smem:$0x3FA0] =	sst s0;
	s0 =	simm.s32 @!p1 $0x0  }
0x14: {  	s2 =	sld [smem:$0x3F84];
	s0 =	simm.s32 @p1 $0x1  }
0x15: {  	[smem:$0x3FA1] =	sst s0;
	s0 =	simm.s32 @!p2 $0x0  }
0x16: {  	s3 =	sld [smem:$0x3FDB];
	s0 =	simm.s32 @p2 $0x1  }
0x17: {  	s4 =	simm.s32 $0x1BF5;
	[smem:$0x3FA3] =	sst s0  }
0x18: {  	s0 =	sld [smem:$0x3F86];
	_ =	swait.ge [sflag:s4], $0x0  }
0x19: {  	s7 =	sld [smem:$0x3F87]  }
0x1a: {  	s8 =	sadd.s32 $0xFFFFE003, lr  }
0x1b: {  	s9 =	sadd.s32 $0xFFFFFEF7, lr;
	s5 =	simm.s32 $0xFFFFFFFF;
	p2 =	slt.u32 s8, $0xFFFFF086  }
0x1c: {  	p1 =	slt.u32 s9, $0xF7A;
	s5 =	simm.s32 @!p2 $0x0  }
0x1d: {  	s5 =	simm.s32 @p1 $0x1;
	p0 =	seq.s32 s7, s2  }
0x1e: {  	s7 =	smul.u32 @!p0 $0xF7A, s2;
	p2 =	seq.s32 @!p0 s5, $0x0  }
0x1f: {  	s9 =	smul.u32 $0xF7A, s1;
	s8 =	simm.s32 @!p0 $0x1BF5;
	p2 =	por !p2, p0  }
0x20: {  	[sflag:s8] =	ssyncset.s32 @!p0 $0xFFFFF086;
	s6 =	sadd.s32 @!p0 s3, s7;
	s7 =	simm.s32 @!p0 $0x108  }
0x21: {  	s3 =	sadd.s32 s3, s9;
	s6 =	sadd.s32 @!p0 $0x88, s6;
	s7 =	simm.s32 @p2 $0x1082  }
0x22: {  	[simem:s7], [sflag:s8] =	dma.local @!p0 [hbm:s6], $0xF7A  }
0x23: {  	s9 =	sor.u32 $0xD0000000, s2;
	s6 =	simm.s32 $0x108;
	_ =	swait.ge @!p0 [sflag:s8], $0x0  }
0x24: {  	s3 =	sadd.s32 $0x88, s3;
	s6 =	simm.s32 @!p1 $0x1082;
	[sflag:s4] =	ssyncset.s32 $0xFFFFF086  }
0x25: {  	[simem:s6], [sflag:s4] =	dma.local [hbm:s3], $0xF7A  }
0x26: {  	[smem:$0x3F87] =	sst s1;
	(tag) =	ssettag s2;
	_ =	strace s9  }
0x27: {  	s1 =	sld [smem:$0x3F97]  }
0x28: {  	s2 =	sld [smem:$0x3F98]  }
0x29: {  	s4 =	sld [smem:$0x3F9A]  }
0x2a: {  	p0 =	seq.s32 s5, $0x0;
	s5 =	sld [smem:$0x3F9B]  }
0x2b: {  	s6 =	sld [smem:$0x3F9C]  }
0x2c: {  	s7 =	sld [smem:$0x3F9D]  }
0x2d: {  	s3 =	simm.s32 $0x108;
	s8 =	sld [smem:$0x3F9E]  }
0x2e: {  	s3 =	simm.s32 @!p0 $0x1082;
	s9 =	sld [smem:$0x3F9F]  }
0x2f: {  	lr =	sadd.s32 s0, s3;
	s0 =	sld [smem:$0x3F96]  }
0x30: {  	s3 =	sld [smem:$0x3F99]  }
0x31: {  	[smem:$0x3FA2] =	sst s10  }
0x32: {  	s10 =	sld [smem:$0x3FA0];
	_ =	sdelay $0x3  }
0x33: {  	p0 =	seq.s32 s10, $0x1;
	s10 =	sld [smem:$0x3FA2];
	_ =	sdelay $0x3  }
0x34: {  	[smem:$0x3FA2] =	sst s10  }
0x35: {  	s10 =	sld [smem:$0x3FA1];
	_ =	sdelay $0x3  }
0x36: {  	p1 =	seq.s32 s10, $0x1;
	s10 =	sld [smem:$0x3FA2];
	_ =	sdelay $0x3  }
0x37: {  	[smem:$0x3FA2] =	sst s10  }
0x38: {  	s10 =	sld [smem:$0x3FA3]  }
0x39: {  	_ = 	snop;
	(pc) =	sbr.ind lr, $3  }
0x3a: {  	_ = 	snop  }
0x3b: {  	_ = 	snop  }
0x3c: {  	p2 =	seq.s32 s10, $0x1;
	s10 =	sld [smem:$0x3FA2]  }
0x3d: {  	_ =	shalt  }
0x3e: {  	_ =	shalt  }
0x3f: {  	_ =	shalt  }
0x40: {  	_ =	shalt  }
0x41: {  	_ =	shalt  }
0x42: {  	_ =	shalt  }
0x43: {  	_ =	shalt  }
0x44: {  	_ =	shalt  }
0x45: {  	_ =	shalt  }
0x46: {  	_ =	shalt  }
0x47: {  	_ =	shalt  }
0x48: {  	_ =	shalt  }
0x49: {  	_ =	shalt  }
0x4a: {  	_ =	shalt  }
0x4b: {  	_ =	shalt  }
0x4c: {  	_ =	shalt  }
0x4d: {  	_ =	shalt  }
0x4e: {  	_ =	shalt  }
0x4f: {  	_ =	shalt  }
0x50: {  	_ =	shalt  }
0x51: {  	_ =	shalt  }
0x52: {  	_ =	shalt  }
0x53: {  	_ =	shalt  }
0x54: {  	_ =	shalt  }
0x55: {  	_ =	shalt  }
0x56: {  	_ =	shalt  }
0x57: {  	_ =	shalt  }
0x58: {  	_ =	shalt  }
0x59: {  	_ =	shalt  }
0x5a: {  	_ =	shalt  }
0x5b: {  	_ =	shalt  }
0x5c: {  	_ =	shalt  }
0x5d: {  	_ =	shalt  }
0x5e: {  	_ =	shalt  }
0x5f: {  	_ =	shalt  }
0x60: {  	_ =	shalt  }
0x61: {  	_ =	shalt  }
0x62: {  	_ =	shalt  }
0x63: {  	_ =	shalt  }
0x64: {  	_ =	shalt  }
0x65: {  	_ =	shalt  }
0x66: {  	_ =	shalt  }
0x67: {  	_ =	shalt  }
0x68: {  	_ =	shalt  }
0x69: {  	_ =	shalt  }
0x6a: {  	_ =	shalt  }
0x6b: {  	_ =	shalt  }
0x6c: {  	_ =	shalt  }
0x6d: {  	_ =	shalt  }
0x6e: {  	_ =	shalt  }
0x6f: {  	_ =	shalt  }
0x70: {  	_ =	shalt  }
0x71: {  	_ =	shalt  }
0x72: {  	_ =	shalt  }
0x73: {  	_ =	shalt  }
0x74: {  	_ =	shalt  }
0x75: {  	_ =	shalt  }
0x76: {  	_ =	shalt  }
0x77: {  	_ =	shalt  }
0x78: {  	_ =	shalt  }
0x79: {  	_ =	shalt  }
0x7a: {  	_ =	shalt  }
0x7b: {  	_ =	shalt  }
0x7c: {  	_ =	shalt  }
0x7d: {  	_ =	shalt  }
0x7e: {  	_ =	shalt  }
0x7f: {  	_ =	shalt  }
0x80: {  	_ =	shalt  }
0x81: {  	_ =	shalt  }
0x82: {  	_ =	shalt  }
0x83: {  	_ =	shalt  }
0x84: {  	_ =	shalt  }
0x85: {  	_ =	shalt  }
0x86: {  	_ =	shalt  }
0x87: {  	_ =	shalt  }
.Lfunc_end0:
.L_simem_size_0:
called_computation_lowered:
.L_overlay_start_0:
0x88: {  	s2 =	sld [smem:$0x3FD9]  }
0x89: {  	s3 =	sld [smem:$0x3FFE];
	_ =	sdelay $0x1  }
0x8a: {  	s1 =	srdreg.scid  }
0x8b: {  	s0 =	sand.u32 $0x1, s1  }
0x8c: {  	s29 =	sshll.u32 s0, $0xA;
	s2 =	sadd.s32 s3, s2  }
0x8d: {  	s2 =	sadd.s32 s2, s29  }
0x8e: {  	[smem:$0x3FAE] =	sst s2  }
0x8f: {  	_ = 	snop  }
0x90: {  	s2 =	sld [smem:$0x3FC9]  }
0x91: {  	s30 =	sld [smem:$0x3FC8]  }
0x92: {  	s4 =	sld [smem:$0x3FC7]  }
0x93: {  	s5 =	sld [smem:$0x3FC3]  }
0x94: {  	s6 =	sld [smem:$0x3FC2]  }
0x95: {  	s7 =	sld [smem:$0x3FD0]  }
0x96: {  	s8 =	sld [smem:$0x3FC1]  }
0x97: {  	s9 =	sld [smem:$0x3FBD]  }
0x98: {  	s11 =	simm.s32 $0xA;
	s12 =	simm.s32 $0x10;
	s10 =	sld [smem:$0x3FBC]  }
0x99: {  	[smem:s12], [sflag:s11] =	dma.local [hbm:s7], $0x1  }
0x9a: {  	_ =	swait.eq [sflag:s11], $0x1  }
0x9b: {  	[sflag:s11] =	ssyncset.done $0x0  }
0x9c: {  	s31 =	sld [smem:$0x11];
	[sflag:s11] =	ssyncadd.s32 $0xFFFFFFFF  }
0x9d: {  	s17 =	sld [smem:$0x12];
	(tm) =	ssettm $0x1  }
0x9e: {  	s18 =	sld [smem:$0x3FFB];
	_ =	sdelay $0x3  }
0x9f: {  	_ =	strace s18  }
0xa0: {  	s12 =	sld [smem:$0x3FFC];
	_ =	sdelay $0x3  }
0xa1: {  	_ =	strace s12  }
0xa2: {  	s12 =	sld [smem:$0x3FFD];
	_ =	sdelay $0x3  }
0xa3: {  	_ =	strace s12  }
0xa4: {  	_ =	strace $0x8FFFFFFF  }
0xa5: {  	s19 =	sld [smem:$0x3FDB];
	_ =	sdelay $0x1  }
0xa6: {  	s13 =	simm.s32 $_scs_section_size  }
0xa7: {  	s14 =	simm.s32 $_size__tile_overlayer_lowered;
	s15 =	simm.s32 $_tile_overlayer_lowered  }
0xa8: {  	s22 =	simm.s32 $0x1BFF;
	s21 =	sshll.u32 s15, $0x1;
	s12 =	sadd.s32 s13, s19  }
0xa9: {  	s16 =	simm.s32 $0x0;
	s20 =	sshll.u32 s14, $0x1;
	s14 =	sadd.s32 s21, s12  }
0xaa: {  	[timem:s16], [sflag:s22] =	dma.local [hbm:s14], s20  }
0xab: {  	_ =	swait.ge [sflag:s22], s20  }
0xac: {  	s13 =	ssub.s32 $0x0, s20;
	[sflag:s22] =	ssyncset.done $0x0  }
0xad: {  	[sflag:s22] =	ssyncadd.s32 s13;
	_ =	sdelay $0x1  }
0xae: {  	s23 =	simm.s32 $0x1B8B  }
0xaf: {  	_ =	swait.ge [sflag:s23], $0x1  }
0xb0: {  	[sflag:s23] =	ssyncset.done $0x0  }
0xb1: {  	s25 =	simm.s32 $0x1B8E;
	s24 =	sld [smem:$0x3FFE];
	[sflag:s23] =	ssyncadd.s32 $0xFFFFFFFF  }
0xb2: {  	s26 =	simm.s32 $execute0_lowered;
	[smem:$0x3FD2] =	sst s25  }
0xb3: {  	s14 =	sshll.u32 s26, $0x1;
	_ =	strace $0x80000046;
	[dreg:$0x1] =	wrdreg $0xFFFFFFFF  }
0xb4: {  	s28 =	simm.s32 $_size_execute0_lowered;
	s12 =	sadd.s32 s12, s14;
	[dreg:$0x0] =	wrdreg $0x0  }
0xb5: {  	s14 =	sshll.u32 s28, $0x1;
	[dreg:$0x2] =	wrdreg s12  }
0xb6: {  	[dreg:$0x3] =	wrdreg s14  }
0xb7: {  	[dreg:$0x4] =	wrdreg $0xC0  }
0xb8: {  	_ =	task [dreg:s16], $0x5FFFF  }
0xb9: {  	[dreg:$0x1] =	wrdreg $0xFFFFFFFF  }
0xba: {  	[dreg:$0x0] =	wrdreg $0x60  }
0xbb: {  	[dreg:$0x2] =	wrdreg s2  }
0xbc: {  	[dreg:$0x3] =	wrdreg s30  }
0xbd: {  	[dreg:$0x4] =	wrdreg s4  }
0xbe: {  	[dreg:$0x5] =	wrdreg s5  }
0xbf: {  	[dreg:$0x6] =	wrdreg s6  }
0xc0: {  	[dreg:$0x7] =	wrdreg s8  }
0xc1: {  	[dreg:$0x8] =	wrdreg s24  }
0xc2: {  	[dreg:$0x9] =	wrdreg s9  }
0xc3: {  	[dreg:$0xa] =	wrdreg s10  }
0xc4: {  	[dreg:$0xb] =	wrdreg s31  }
0xc5: {  	[dreg:$0xc] =	wrdreg s17  }
0xc6: {  	[dreg:$0xd] =	wrdreg $0x9  }
0xc7: {  	_ =	task.clear_ibuf [dreg:s16], $0xEFFFF;
	_ =	strace $0x90000046  }
0xc8: {  	s29 =	simm.s32 $0x9;
	_ =	strace $0x80000048  }
0xc9: {  	_ =	swait.ge [sflag:s29], $0x1  }
0xca: {  	[sflag:s29] =	ssyncadd.s32 $0xFFFFFFFF  }
0xcb: {  	_ =	strace $0x90000048  }
0xcc: {  	_ =	sfence  }
0xcd: {  	s30 =	sld [smem:$0x0];
	_ =	sdelay $0x2  }
0xce: {  	s31 =	sshll.u32 s1, $0xD;
	s1 =	sshrl.u32 s1, $0x2  }
0xcf: {  	s3 =	sand.u32 $0x4000, s31;
	s1 =	sadd.s32 s1, s30  }
0xd0: {  	s0 =	sor.u32 s3, s0;
	s1 =	sshll.u32 s1, $0x11  }
0xd1: {  	s0 =	sor.u32 s1, s0  }
0xd2: {  	s0 =	sadd.s32 $0x8F2B, s0  }
0xd3: {  	[sflag:s0] =	ssyncadd.remote.s32 $0x1  }
0xd4: {  	_ =	sfence.sel $0xFFFF  }
0xd5: {  	[dreg:$0x0] =	wrdreg $0xFFFFFFFF;
	(pc) =	sbr.abs _section_cstart, $3  }
0xd6: {  	[dreg:$0x1] =	wrdreg $0xFFFFFFFF  }
0xd7: {  	_ =	task.clear_ibuf [dreg:s16], $0x2FFFF;
	_ =	strace $0x9FFFFFFF  }
0xd8: {  	(tm) =	ssettm $0x7FFFFFFF  }
0xd9: {  	_ =	shalt  }
tec
execute0_lowered:
.L_overlay_start_1:
0x0: {  	(tag) =	ssettag $0x1  }
0x1: {  	s0 =	rddreg [dreg:$0x0]  }
0x2: {  	s1 =	rddreg [dreg:$0x1]  }
0x3: {  	s2 =	rddreg [dreg:$0x2]  }
0x4: {  	s3 =	rddreg [dreg:$0x3]  }
0x5: {  	s4 =	rddreg [dreg:$0x4]  }
0x6: {  	s5 =	rddreg [dreg:$0x5]  }
0x7: {  	s6 =	rddreg [dreg:$0x6]  }
0x8: {  	s7 =	rddreg [dreg:$0x7]  }
0x9: {  	s9 =	rddreg [dreg:$0x8]  }
0xa: {  	s10 =	rddreg [dreg:$0x9];
	s8 =	srdreg.scid  }
0xb: {  	s13 =	stileid.u32;
	s11 =	rddreg [dreg:$0xa];
	s12 =	sand.u32 $0x1, s8  }
0xc: {  	s13 =	sshll.u32 s13, $0x1;
	s8 =	simm.s32 $0x0;
	s30 =	sadd.s32 $0x6180, s11  }
0xd: {  	s13 =	sor.u32 s12, s13;
	[smem:$0x7FF] =	sst s8;
	s12 =	ssub.s32 $0x2, s12  }
0xe: {  	s14 =	smul.u32 $0x3D00, s13;
	_ =	strace $0x80000047;
	s15 =	sshll.u32 s13, $0xC  }
0xf: {  	s18 =	sshrl.u32 s12, $0x1;
	s19 =	smul.u32 $0x1860, s13;
	s24 =	sshll.u32 s13, $0x6  }
0x10: {  	p0 =	seq.s32 s13, $0x1F;
	s15 =	sadd.s32 s15, s6;
	s12 =	ssub.s32 s12, s18  }
0x11: {  	s20 =	sadd.s32 s0, s24;
	s25 =	sadd.s32 s1, s24;
	s18 =	sadd.s32 s2, s24  }
0x12: {  	s24 =	sadd.s32 $0xB74C00, s6;
	s16 =	sshrl.u32 s14, $0x3;
	[dreg:$0xc] =	wrdreg s20  }
0x13: {  	s20 =	simm.s32 $0x120;
	s21 =	sadd.s32 $0x3000, s15;
	[dreg:$0xe] =	wrdreg s25  }
0x14: {  	s26 =	sadd.s32 $0x43000, s15;
	[dreg:$0x10] =	wrdreg s18;
	s15 =	sadd.s32 $0x23000, s15  }
0x15: {  	s29 =	sshrl.u32 s19, $0x3;
	[dreg:$0x18] =	wrdreg s24;
	s25 =	sadd.s32 $0x7A4200, s6  }
0x16: {  	s31 =	smax.u32 s12, $0x1;
	s12 =	simm.s32 $0x16FA0;
	[dreg:$0xd] =	wrdreg s21  }
0x17: {  	s17 =	sadd.s32 s16, s6;
	s20 =	simm.s32 @!p0 $0x0;
	[dreg:$0xf] =	wrdreg s26  }
0x18: {  	p0 =	sne.s32 s13, $0x1F;
	[dreg:$0x11] =	wrdreg s15;
	s7 =	sadd.s32 s7, s16  }
0x19: {  	s18 =	sadd.s32 s10, s16;
	s22 =	sadd.s32 s29, s6;
	s10 =	sadd.s32 $0xF400, s10  }
0x1a: {  	s9 =	sadd.s32 s9, s29;
	[dreg:$0x19] =	wrdreg s25;
	s26 =	sadd.s32 $0x310400, s6  }
0x1b: {  	s15 =	simm.s32 $0xFE40;
	s16 =	simm.s32 $0x13C60;
	[dreg:$0x12] =	wrdreg s7  }
0x1c: {  	s28 =	sadd.s32 s20, s14;
	s20 =	sadd.s32 $0x63000, s17;
	[dreg:$0x15] =	wrdreg s10  }
0x1d: {  	s21 =	sadd.s32 $0x72600, s17;
	[dreg:$0x16] =	wrdreg s9;
	s23 =	sadd.s32 $0x81C00, s22  }
0x1e: {  	s22 =	sadd.s32 s11, s29;
	[dreg:$0x1a] =	wrdreg s26;
	s29 =	sadd.s32 $0x81A00, s6  }
0x1f: {  	s7 =	sadd.s32 $0x1860, s19;
	s9 =	simm.s32 $0x200;
	[dreg:$0x13] =	wrdreg s20  }
0x20: {  	s10 =	simm.s32 $0x1;
	s11 =	simm.s32 $0x8200;
	[dreg:$0x14] =	wrdreg s21  }
0x21: {  	v0 =	vmov s14;
	s14 =	simm.s32 $0xC020;
	s17 =	simm.s32 $0x15600;
	[dreg:$0x17] =	wrdreg s23  }
0x22: {  	s13 =	sadd.s32 $0x3D00, s28;
	s28 =	sadd.s32 $0x72400, s6;
	[dreg:$0x1c] =	wrdreg s29  }
0x23: {  	v4 =	vlaneseq.u32;
	v2 =	vmov s19;
	s19 =	simm.s32 $0x0;
	s6 =	sadd.s32 $0x87D80, s6;
	[dreg:$0x1b] =	wrdreg s28  }
0x24: {  	v3 =	vimm.s32 $0xFFFFFFFF;
	v4 =	vor.u32 $0x80000000, v4;
	[dreg:$0x1d] =	wrdreg s6;
	s6 =	simm.s32 $0x2;
	v1 =	vmov s13;
	s13 =	simm.s32 $0x177A0  }
.LBB2_1:
0x25: {  	[tilespmem:$0x17FB0] =	vst v3;
	s20 =	rddreg [dreg:$0xc]  }
0x26: {  	[tilespmem:s8], [sflag:$0x2] =	stream.linear.gather [hbm4b:s20+s8], $0x200, $0x38;
	[tilespmem:$0x17FC0] =	vst v63  }
0x27: {  	_ =	swait.ge [sflag:s6], $0x200  }
0x28: {  	[sflag:s6] =	ssyncset.done $0x0  }
0x29: {  	s28 =	rddreg [dreg:$0x18];
	[sflag:s6] =	ssyncadd.s32 $0xFFFFFE00  }
0x2a: {  	[tilespmem:s9], [sflag:$0x1] =	stream.indirect.gather [hbm4b:s28+s9], $0x40, s8, s9, $0xb8;
	[tilespmem:$0x17FC0] =	vst v63  }
0x2b: {  	_ =	swait.ge [sflag:s10], $0x8000  }
0x2c: {  	[sflag:s10] =	ssyncset.done $0x0  }
0x2d: {  	s29 =	rddreg [dreg:$0xd];
	[sflag:s10] =	ssyncadd.s32 $0xFFFF8000  }
0x2e: {  	[hbm4b:s29+s8] =	stream.linear.scatter [tilespmem:s9], [sflag:$0x2], $0x8000, $0x38;
	[tilespmem:$0x17FC0] =	vst v63  }
0x2f: {  	_ =	swait.ge [sflag:s6], $0x8000  }
0x30: {  	[sflag:s6] =	ssyncset.done $0x0  }
0x31: {  	s21 =	rddreg [dreg:$0xe];
	[sflag:s6] =	ssyncadd.s32 $0xFFFF8000  }
0x32: {  	[tilespmem:s8], [sflag:$0x2] =	stream.linear.gather [hbm4b:s21+s8], $0x200, $0x38;
	[tilespmem:$0x17FC0] =	vst v63  }
0x33: {  	_ =	swait.ge [sflag:s6], $0x200  }
0x34: {  	[sflag:s6] =	ssyncset.done $0x0  }
0x35: {  	s23 =	rddreg [dreg:$0x19];
	[sflag:s6] =	ssyncadd.s32 $0xFFFFFE00  }
0x36: {  	[tilespmem:s9], [sflag:$0x1] =	stream.indirect.gather [hbm4b:s23+s9], $0x40, s8, s9, $0xb8;
	[tilespmem:$0x17FC0] =	vst v63  }
0x37: {  	_ =	swait.ge [sflag:s10], $0x8000  }
0x38: {  	[sflag:s10] =	ssyncset.done $0x0  }
0x39: {  	s24 =	rddreg [dreg:$0xf];
	[sflag:s10] =	ssyncadd.s32 $0xFFFF8000  }
0x3a: {  	[hbm4b:s24+s8] =	stream.linear.scatter [tilespmem:s9], [sflag:$0x2], $0x8000, $0x38;
	[tilespmem:$0x17FC0] =	vst v63  }
0x3b: {  	_ =	swait.ge [sflag:s6], $0x8000  }
0x3c: {  	[sflag:s6] =	ssyncset.done $0x0  }
0x3d: {  	s25 =	rddreg [dreg:$0x10];
	[sflag:s6] =	ssyncadd.s32 $0xFFFF8000  }
0x3e: {  	[tilespmem:s8], [sflag:$0x2] =	stream.linear.gather [hbm4b:s25+s8], $0x200, $0x38;
	[tilespmem:$0x17FC0] =	vst v63  }
0x3f: {  	_ =	swait.ge [sflag:s6], $0x200  }
0x40: {  	[sflag:s6] =	ssyncset.done $0x0  }
0x41: {  	s26 =	rddreg [dreg:$0x1a];
	[sflag:s6] =	ssyncadd.s32 $0xFFFFFE00  }
0x42: {  	[tilespmem:s9], [sflag:$0x1] =	stream.indirect.gather [hbm4b:s26+s9], $0x40, s8, s9, $0xb8;
	[tilespmem:$0x17FC0] =	vst v63  }
0x43: {  	_ =	swait.ge [sflag:s10], $0x8000  }
0x44: {  	[sflag:s10] =	ssyncset.done $0x0  }
0x45: {  	s28 =	rddreg [dreg:$0x11];
	[sflag:s10] =	ssyncadd.s32 $0xFFFF8000  }
0x46: {  	[hbm4b:s28+s8] =	stream.linear.scatter [tilespmem:s9], [sflag:$0x2], $0x8000, $0x38;
	[tilespmem:$0x17FC0] =	vst v63  }
0x47: {  	_ =	swait.ge [sflag:s6], $0x8000  }
0x48: {  	[sflag:s6] =	ssyncset.done $0x0  }
0x49: {  	s29 =	rddreg [dreg:$0x12];
	[sflag:s6] =	ssyncadd.s32 $0xFFFF8000  }
0x4a: {  	[tilespmem:s11], [sflag:$0x2] =	stream.linear.gather [hbm4b:s29+s8], $0x3E20, $0x38;
	[tilespmem:$0x17FC0] =	vst v63  }
0x4b: {  	_ =	swait.ge [sflag:s6], $0x3E20  }
0x4c: {  	[sflag:s6] =	ssyncset.done $0x0  }
0x4d: {  	s21 =	simm.s32 $0x0;
	[sflag:s6] =	ssyncadd.s32 $0xFFFFC1E0  }
0x4e: {  	v5 =	vld [tilespmem:s21+$0x8200];
	_ =	sdelay $0x3  }
0x4f: {  	s23 =	simm.s32 $0x40  }
.LBB2_2:
0x50: {  	p1 =	sne.s32 s23, $0xF840;
	[tilespmem:s21+$0xC020] =	vst v5;
	s21 =	sshra.s32 s23, $0x2;
	s23 =	sadd.s32 $0x40, s23  }
.Ltmp0:
0x51: {  	v5 =	vld [tilespmem:s21+$0x8200];
	(pc) =	sbr.rel @p1 .LBB2_2-.Ltmp0, $2  }
0x52: {  	_ =	sdelay $0x2  }
0x53: {  	s20 =	simm.s32 $0x0  }
0x54: {  	[tilespmem:s21+$0xC020] =	vst v5;
	s24 =	simm.s32 $0x0;
	s23 =	simm.s32 $0x0  }
.LBB2_4:
0x55: {  	s21 =	sshll.u32 s23, $0x8  }
0x56: {  	s25 =	sadd.s32 s0, s21  }
0x57: {  	[tilespmem:s12], [sflag:$0x2] =	stream.linear.gather [hbm4b:s25+s20], $0x800, $0x38;
	[tilespmem:$0x17FC0] =	vst v63  }
0x58: {  	_ =	swait.ge [sflag:s6], $0x800  }
0x59: {  	[sflag:s6] =	ssyncset.done $0x0  }
0x5a: {  	s21 =	sadd.s32 s3, s21;
	[sflag:s6] =	ssyncadd.s32 $0xFFFFF800  }
0x5b: {  	[tilespmem:s13], [sflag:$0x2] =	stream.linear.gather [hbm4b:s21+s20], $0x800, $0x38;
	[tilespmem:$0x17FC0] =	vst v63  }
0x5c: {  	_ =	swait.ge [sflag:s6], $0x800  }
0x5d: {  	[sflag:s6] =	ssyncset.done $0x0  }
0x5e: {  	s29 =	simm.s32 $0x0;
	[sflag:s6] =	ssyncadd.s32 $0xFFFFF800  }
0x5f: {  	v5 =	vld [tilespmem:s29+$0x16FA0];
	_ =	sdelay $0x1  }
0x60: {  	v6 =	vld [tilespmem:s29+$0x177A0];
	_ =	sdelay $0x2  }
0x61: {  	v5 =	vshll.u32 v5, $0x4  }
0x62: {  	v5 =	vxor.u32 v4, v5  }
0x63: {  	(xrf1) =	vsort.ascd.msk.u32 $0xffff, v5, v6;
	_ =	sdelay $0xd  }
0x64: {  	v6, v7, _ =	vpop (xrf1)  }
0x65: {  	v5 =	vshrl.u32 v6, $0x4  }
0x66: {  	v5 =	vxor.u32 $0x8000000, v5  }
0x67: {  	[tilespmem:$0x17FA0] =	vst v5  }
0x68: {  	v8 =	vld [tilespmem:$0x17FA1];
	_ =	sdelay $0x4  }
0x69: {  	v9 =	vsub.s32 v5, v0;
	vm1 =	vge.u32 v5, v0;
	vm0 =	vne.s32 v5, v8  }
0x6a: {  	vm2 =	vlt.u32 v5, v1;
	vm0 =	vmand vm0, vm1;
	vm1 =	vgt.s32 v9, $0x0  }
0x6b: {  	v5 =	vnsel vm1, $0x0, v9;
	vm0 =	vmand vm2, vm0  }
0x6c: {  	v5 =	vmin.u32 v5, $0x3E1F;
	_ =	sdelay $0x4  }
0x6d: {  	v8 =	vld.idx.msk [tilespmem:v5+s11+$0x0], vm0;
	_ =	sdelay $0x4  }
0x6e: {  	v6 =	vand.u32 $0xF, v6;
	v7 =	vmax.f32 v8, v7  }
0x6f: {  	s26 =	simm.s32 $0x80;
	s25 =	simm.s32 $0x40;
	s21 =	smov.u32 s24;
	v6 =	vor.u32 s24, v6;
	[tilespmem:v5+s14+$0x0] =	vst.idx.msk vm0, v7  }
.LBB2_5:
0x70: {  	s29 =	sshra.s32 s25, $0x2  }
0x71: {  	[tilespmem:v5+s15+$0x0] =	vst.idx.msk vm0, v6;
	s21 =	sadd.s32 $0x10, s21;
	s25 =	smov.u32 s26;
	s28 =	sadd.s32 $0x40, s26  }
0x72: {  	p1 =	sne.s32 s26, $0x1FC0;
	v5 =	vld [tilespmem:s29+$0x16FA0];
	_ =	sdelay $0x1  }
0x73: {  	v6 =	vld [tilespmem:s29+$0x177A0];
	_ =	sdelay $0x2  }
0x74: {  	v5 =	vshll.u32 v5, $0x4  }
0x75: {  	v5 =	vxor.u32 v4, v5  }
0x76: {  	(xrf1) =	vsort.ascd.msk.u32 $0xffff, v5, v6;
	_ =	sdelay $0xd  }
0x77: {  	v5, v6, _ =	vpop (xrf1)  }
0x78: {  	v7 =	vshrl.u32 v5, $0x4;
	v8 =	vand.u32 $0xF, v5  }
0x79: {  	v5 =	vxor.u32 $0x8000000, v7  }
0x7a: {  	[tilespmem:$0x17FA0] =	vst v5;
	v7 =	vsub.s32 v5, v0  }
0x7b: {  	v9 =	vld [tilespmem:$0x17FA1];
	vm0 =	vgt.s32 v7, $0x0  }
0x7c: {  	v7 =	vnsel vm0, $0x0, v7;
	_ =	sdelay $0x3  }
0x7d: {  	vm1 =	vge.u32 v5, v0;
	vm0 =	vne.s32 v5, v9  }
0x7e: {  	vm0 =	vmand vm0, vm1;
	vm1 =	vlt.u32 v5, v1  }
0x7f: {  	vm0 =	vmand vm1, vm0  }
0x80: {  	v5 =	vmin.u32 v7, $0x3E1F;
	_ =	sdelay $0x4  }
0x81: {  	v7 =	vld.idx.msk [tilespmem:v5+s11+$0x0], vm0;
	_ =	sdelay $0x2  }
.Ltmp1:
0x82: {  	(pc) =	sbr.rel @p1 .LBB2_5-.Ltmp1, $3  }
0x83: {  	_ =	sdelay $0x1  }
0x84: {  	v7 =	vmax.f32 v7, v6  }
0x85: {  	s26 =	smov.u32 s28;
	v6 =	vor.u32 s21, v8;
	[tilespmem:v5+s14+$0x0] =	vst.idx.msk vm0, v7  }
0x86: {  	_ =	sdelay $0x4  }
0x87: {  	s25 =	sshra.s32 s25, $0x2;
	[tilespmem:v5+s15+$0x0] =	vst.idx.msk vm0, v6  }
0x88: {  	v5 =	vld [tilespmem:s25+$0x16FA0];
	_ =	sdelay $0x1  }
0x89: {  	v6 =	vld [tilespmem:s25+$0x177A0];
	_ =	sdelay $0x2  }
0x8a: {  	v5 =	vshll.u32 v5, $0x4  }
0x8b: {  	v5 =	vxor.u32 v4, v5  }
0x8c: {  	(xrf1) =	vsort.ascd.msk.u32 $0xffff, v5, v6;
	_ =	sdelay $0xd  }
0x8d: {  	v5, v6, _ =	vpop (xrf1)  }
0x8e: {  	v7 =	vshrl.u32 v5, $0x4  }
0x8f: {  	v7 =	vxor.u32 $0x8000000, v7  }
0x90: {  	[tilespmem:$0x17FA0] =	vst v7  }
0x91: {  	v8 =	vld [tilespmem:$0x17FA1];
	_ =	sdelay $0x4  }
0x92: {  	v9 =	vsub.s32 v7, v0;
	vm1 =	vge.u32 v7, v0;
	vm14 =	vne.s32 v7, v8  }
0x93: {  	vm2 =	vlt.u32 v7, v1;
	vm15 =	vgt.s32 v9, $0x0;
	vm0 =	vmand vm14, vm1  }
0x94: {  	v7 =	vnsel vm15, $0x0, v9;
	vm0 =	vmand vm2, vm0  }
0x95: {  	v7 =	vmin.u32 v7, $0x3E1F;
	_ =	sdelay $0x4  }
0x96: {  	v63 =	vld.idx.msk [tilespmem:v7+s11+$0x0], vm0  }
0x97: {  	s23 =	sadd.s32 $0x1, s23  }
0x98: {  	p1 =	sne.s32 s23, $0x8  }
.Ltmp2:
0x99: {  	_ = 	snop;
	(pc) =	sbr.rel @p1 .LBB2_4-.Ltmp2, $4  }
0x9a: {  	_ = 	snop  }
0x9b: {  	s21 =	sadd.s32 $0x10, s21;
	v5 =	vand.u32 $0xF, v5;
	v6 =	vmax.f32 v63, v6  }
0x9c: {  	v5 =	vor.u32 s21, v5;
	[tilespmem:v7+s14+$0x0] =	vst.idx.msk vm0, v6  }
0x9d: {  	s24 =	sadd.s32 $0x800, s24;
	[tilespmem:v7+s15+$0x0] =	vst.idx.msk vm0, v5  }
0x9e: {  	s20 =	rddreg [dreg:$0x13]  }
0x9f: {  	[hbm4b:s20+s8] =	stream.linear.scatter [tilespmem:s15], [sflag:$0x2], $0x3D00, $0x38;
	[tilespmem:$0x17FC0] =	vst v63  }
0xa0: {  	_ =	swait.ge [sflag:s6], $0x3D00  }
0xa1: {  	s21 =	simm.s32 @!p0 $0x13B40;
	[sflag:s6] =	ssyncset.done $0x0  }
0xa2: {  	s20 =	simm.s32 @!p0 $0x0;
	s23 =	rddreg [dreg:$0x1b];
	[sflag:s6] =	ssyncadd.s32 $0xFFFFC300  }
0xa3: {  	[hbm4b:s23+s20] =	stream.linear.scatter @!p0 [tilespmem:s21], [sflag:$0x2], $0x120, $0x38;
	[tilespmem:$0x17FC0] =	vst v63  }
0xa4: {  	s20 =	simm.s32 @!p0 $0x2  }
0xa5: {  	_ =	swait.ge @!p0 [sflag:s20], $0x120  }
0xa6: {  	[sflag:s20] =	ssyncset.done @!p0 $0x0  }
0xa7: {  	s21 =	simm.s32 $0x0;
	[sflag:s20] =	ssyncadd.s32 @!p0 $0xFFFFFEE0  }
0xa8: {  	s23 =	simm.s32 $0x40;
	s20 =	simm.s32 $0x0;
	v5 =	vld [tilespmem:s21+$0xC020]  }
.LBB2_8:
0xa9: {  	p1 =	sne.s32 s23, $0xF840  }
.Ltmp3:
0xaa: {  	_ = 	snop;
	(pc) =	sbr.rel @p1 .LBB2_8-.Ltmp3, $3  }
0xab: {  	_ =	sdelay $0x1  }
0xac: {  	[tilespmem:s21+$0x8200] =	vst v5;
	s21 =	sshra.s32 s23, $0x2;
	s23 =	sadd.s32 $0x40, s23  }
0xad: {  	v5 =	vld [tilespmem:s21+$0xC020]  }
0xae: {  	_ =	sdelay $0x3  }
0xaf: {  	[tilespmem:s21+$0x8200] =	vst v5;
	s21 =	simm.s32 $0x0  }
.LBB2_10:
0xb0: {  	s23 =	sshll.u32 s21, $0x8  }
0xb1: {  	s25 =	simm.s32 $0x0;
	s24 =	sadd.s32 s1, s23  }
0xb2: {  	[tilespmem:s12], [sflag:$0x2] =	stream.linear.gather [hbm4b:s24+s25], $0x800, $0x38;
	[tilespmem:$0x17FC0] =	vst v63  }
0xb3: {  	_ =	swait.ge [sflag:s6], $0x800  }
0xb4: {  	[sflag:s6] =	ssyncset.done $0x0  }
0xb5: {  	s23 =	sadd.s32 s4, s23;
	[sflag:s6] =	ssyncadd.s32 $0xFFFFF800  }
0xb6: {  	[tilespmem:s13], [sflag:$0x2] =	stream.linear.gather [hbm4b:s23+s25], $0x800, $0x38;
	[tilespmem:$0x17FC0] =	vst v63  }
0xb7: {  	_ =	swait.ge [sflag:s6], $0x800  }
0xb8: {  	[sflag:s6] =	ssyncset.done $0x0  }
0xb9: {  	s29 =	simm.s32 $0x0;
	[sflag:s6] =	ssyncadd.s32 $0xFFFFF800  }
0xba: {  	v5 =	vld [tilespmem:s29+$0x16FA0];
	_ =	sdelay $0x1  }
0xbb: {  	v6 =	vld [tilespmem:s29+$0x177A0];
	_ =	sdelay $0x2  }
0xbc: {  	v5 =	vshll.u32 v5, $0x4  }
0xbd: {  	v5 =	vxor.u32 v4, v5  }
0xbe: {  	(xrf1) =	vsort.ascd.msk.u32 $0xffff, v5, v6;
	_ =	sdelay $0xd  }
0xbf: {  	v6, v7, _ =	vpop (xrf1)  }
0xc0: {  	v5 =	vshrl.u32 v6, $0x4  }
0xc1: {  	v5 =	vxor.u32 $0x8000000, v5  }
0xc2: {  	[tilespmem:$0x17FA0] =	vst v5  }
0xc3: {  	v8 =	vld [tilespmem:$0x17FA1];
	_ =	sdelay $0x4  }
0xc4: {  	v9 =	vsub.s32 v5, v0;
	vm1 =	vge.u32 v5, v0;
	vm0 =	vne.s32 v5, v8  }
0xc5: {  	vm2 =	vlt.u32 v5, v1;
	vm0 =	vmand vm0, vm1;
	vm1 =	vgt.s32 v9, $0x0  }
0xc6: {  	v5 =	vnsel vm1, $0x0, v9;
	vm0 =	vmand vm2, vm0  }
0xc7: {  	v5 =	vmin.u32 v5, $0x3E1F;
	_ =	sdelay $0x4  }
0xc8: {  	v8 =	vld.idx.msk [tilespmem:v5+s11+$0x0], vm0;
	_ =	sdelay $0x4  }
0xc9: {  	v6 =	vand.u32 $0xF, v6;
	v7 =	vmax.f32 v8, v7  }
0xca: {  	s26 =	simm.s32 $0x80;
	s24 =	simm.s32 $0x40;
	s23 =	smov.u32 s20;
	v6 =	vor.u32 s20, v6;
	[tilespmem:v5+s14+$0x0] =	vst.idx.msk vm0, v7  }
.LBB2_11:
0xcb: {  	s28 =	sshra.s32 s24, $0x2  }
0xcc: {  	[tilespmem:v5+s15+$0x0] =	vst.idx.msk vm0, v6;
	s23 =	sadd.s32 $0x10, s23;
	s24 =	smov.u32 s26;
	s25 =	sadd.s32 $0x40, s26  }
0xcd: {  	p1 =	sne.s32 s26, $0x1FC0;
	v5 =	vld [tilespmem:s28+$0x16FA0];
	_ =	sdelay $0x1  }
0xce: {  	v6 =	vld [tilespmem:s28+$0x177A0];
	_ =	sdelay $0x2  }
0xcf: {  	v5 =	vshll.u32 v5, $0x4  }
0xd0: {  	v5 =	vxor.u32 v4, v5  }
0xd1: {  	(xrf1) =	vsort.ascd.msk.u32 $0xffff, v5, v6;
	_ =	sdelay $0xd  }
0xd2: {  	v5, v6, _ =	vpop (xrf1)  }
0xd3: {  	v7 =	vshrl.u32 v5, $0x4;
	v8 =	vand.u32 $0xF, v5  }
0xd4: {  	v5 =	vxor.u32 $0x8000000, v7  }
0xd5: {  	[tilespmem:$0x17FA0] =	vst v5;
	v7 =	vsub.s32 v5, v0  }
0xd6: {  	v9 =	vld [tilespmem:$0x17FA1];
	vm0 =	vgt.s32 v7, $0x0  }
0xd7: {  	v7 =	vnsel vm0, $0x0, v7;
	_ =	sdelay $0x3  }
0xd8: {  	vm1 =	vge.u32 v5, v0;
	vm0 =	vne.s32 v5, v9  }
0xd9: {  	vm0 =	vmand vm0, vm1;
	vm1 =	vlt.u32 v5, v1  }
0xda: {  	vm0 =	vmand vm1, vm0  }
0xdb: {  	v5 =	vmin.u32 v7, $0x3E1F;
	_ =	sdelay $0x4  }
0xdc: {  	v7 =	vld.idx.msk [tilespmem:v5+s11+$0x0], vm0;
	_ =	sdelay $0x2  }
.Ltmp4:
0xdd: {  	(pc) =	sbr.rel @p1 .LBB2_11-.Ltmp4, $3  }
0xde: {  	_ =	sdelay $0x1  }
0xdf: {  	v7 =	vmax.f32 v7, v6  }
0xe0: {  	s26 =	smov.u32 s25;
	v6 =	vor.u32 s23, v8;
	[tilespmem:v5+s14+$0x0] =	vst.idx.msk vm0, v7  }
0xe1: {  	_ =	sdelay $0x4  }
0xe2: {  	s24 =	sshra.s32 s24, $0x2;
	[tilespmem:v5+s15+$0x0] =	vst.idx.msk vm0, v6  }
0xe3: {  	v5 =	vld [tilespmem:s24+$0x16FA0];
	_ =	sdelay $0x1  }
0xe4: {  	v6 =	vld [tilespmem:s24+$0x177A0];
	_ =	sdelay $0x2  }
0xe5: {  	v5 =	vshll.u32 v5, $0x4  }
0xe6: {  	v5 =	vxor.u32 v4, v5  }
0xe7: {  	(xrf1) =	vsort.ascd.msk.u32 $0xffff, v5, v6;
	_ =	sdelay $0xd  }
0xe8: {  	v5, v6, _ =	vpop (xrf1)  }
0xe9: {  	v7 =	vshrl.u32 v5, $0x4  }
0xea: {  	v7 =	vxor.u32 $0x8000000, v7  }
0xeb: {  	[tilespmem:$0x17FA0] =	vst v7  }
0xec: {  	v8 =	vld [tilespmem:$0x17FA1];
	_ =	sdelay $0x4  }
0xed: {  	v9 =	vsub.s32 v7, v0;
	vm1 =	vge.u32 v7, v0;
	vm14 =	vne.s32 v7, v8  }
0xee: {  	vm2 =	vlt.u32 v7, v1;
	vm15 =	vgt.s32 v9, $0x0;
	vm0 =	vmand vm14, vm1  }
0xef: {  	v7 =	vnsel vm15, $0x0, v9;
	vm0 =	vmand vm2, vm0  }
0xf0: {  	v7 =	vmin.u32 v7, $0x3E1F;
	_ =	sdelay $0x4  }
0xf1: {  	v63 =	vld.idx.msk [tilespmem:v7+s11+$0x0], vm0  }
0xf2: {  	s21 =	sadd.s32 $0x1, s21  }
0xf3: {  	p1 =	sne.s32 s21, $0x8  }
.Ltmp5:
0xf4: {  	_ = 	snop;
	(pc) =	sbr.rel @p1 .LBB2_10-.Ltmp5, $4  }
0xf5: {  	_ = 	snop  }
0xf6: {  	s23 =	sadd.s32 $0x10, s23;
	v5 =	vand.u32 $0xF, v5;
	v6 =	vmax.f32 v63, v6  }
0xf7: {  	v5 =	vor.u32 s23, v5;
	[tilespmem:v7+s14+$0x0] =	vst.idx.msk vm0, v6  }
0xf8: {  	s20 =	sadd.s32 $0x800, s20;
	[tilespmem:v7+s15+$0x0] =	vst.idx.msk vm0, v5  }
0xf9: {  	s20 =	rddreg [dreg:$0x14]  }
0xfa: {  	[hbm4b:s20+s8] =	stream.linear.scatter [tilespmem:s15], [sflag:$0x2], $0x3D00, $0x38;
	[tilespmem:$0x17FC0] =	vst v63  }
0xfb: {  	_ =	swait.ge [sflag:s6], $0x3D00  }
0xfc: {  	[sflag:s6] =	ssyncset.done $0x0  }
0xfd: {  	s21 =	simm.s32 @p0 $0xC020;
	s20 =	simm.s32 @p0 $0x0;
	[sflag:s6] =	ssyncadd.s32 $0xFFFFC300  }
0xfe: {  	[hbm4b:s18+s20] =	stream.linear.scatter @p0 [tilespmem:s21], [sflag:$0x2], $0x3D00, $0x38;
	[tilespmem:$0x17FC0] =	vst v63  }
0xff: {  	s20 =	simm.s32 @p0 $0x2  }
0x100: {  	_ =	swait.ge @p0 [sflag:s20], $0x3D00  }
0x101: {  	s21 =	simm.s32 @!p0 $0x13B40;
	[sflag:s20] =	ssyncset.done @p0 $0x0  }
0x102: {  	s23 =	rddreg [dreg:$0x1c];
	[sflag:s20] =	ssyncadd.s32 @p0 $0xFFFFC300;
	s20 =	simm.s32 @!p0 $0x0  }
0x103: {  	[hbm4b:s23+s20] =	stream.linear.scatter @!p0 [tilespmem:s21], [sflag:$0x2], $0x120, $0x38;
	[tilespmem:$0x17FC0] =	vst v63  }
0x104: {  	s21 =	simm.s32 @!p0 $0x2  }
0x105: {  	_ =	swait.ge @!p0 [sflag:s21], $0x120  }
0x106: {  	[sflag:s21] =	ssyncset.done @!p0 $0x0  }
0x107: {  	s23 =	simm.s32 @!p0 $0xC020;
	[sflag:s21] =	ssyncadd.s32 @!p0 $0xFFFFFEE0  }
0x108: {  	[hbm4b:s18+s20] =	stream.linear.scatter @!p0 [tilespmem:s23], [sflag:$0x2], $0x3D00, $0x38;
	[tilespmem:$0x17FC0] =	vst v63  }
0x109: {  	_ =	swait.ge @!p0 [sflag:s21], $0x3D00  }
0x10a: {  	[sflag:s21] =	ssyncset.done @!p0 $0x0  }
0x10b: {  	s23 =	simm.s32 @!p0 $0xFD20;
	s24 =	rddreg [dreg:$0x15];
	[sflag:s21] =	ssyncadd.s32 @!p0 $0xFFFFC300  }
0x10c: {  	[hbm4b:s24+s20] =	stream.linear.scatter @!p0 [tilespmem:s23], [sflag:$0x2], $0x120, $0x38;
	[tilespmem:$0x17FC0] =	vst v63  }
0x10d: {  	_ =	swait.ge @!p0 [sflag:s21], $0x120  }
0x10e: {  	s20 =	simm.s32 $0x0;
	[sflag:s21] =	ssyncset.done @!p0 $0x0  }
0x10f: {  	s29 =	rddreg [dreg:$0x16];
	[sflag:s21] =	ssyncadd.s32 @!p0 $0xFFFFFEE0;
	s21 =	simm.s32 @!p0 $0x140  }
0x110: {  	[tilespmem:s16], [sflag:$0x2] =	stream.linear.gather [hbm4b:s29+s20], $0x19A0, $0x38;
	[tilespmem:$0x17FC0] =	vst v63  }
0x111: {  	s21 =	simm.s32 @p0 $0x0;
	_ =	swait.ge [sflag:s6], $0x19A0  }
0x112: {  	s21 =	sadd.s32 s21, s7;
	[sflag:s6] =	ssyncset.done $0x0  }
0x113: {  	s23 =	simm.s32 $0x0;
	v5 =	vmov s21;
	s21 =	simm.s32 $0x0;
	[sflag:s6] =	ssyncadd.s32 $0xFFFFE660  }
.LBB2_14:
0x114: {  	s24 =	sshll.u32 s23, $0x8  }
0x115: {  	s25 =	sadd.s32 s2, s24  }
0x116: {  	[tilespmem:s12], [sflag:$0x2] =	stream.linear.gather [hbm4b:s25+s20], $0x800, $0x38;
	[tilespmem:$0x17FC0] =	vst v63  }
0x117: {  	_ =	swait.ge [sflag:s6], $0x800  }
0x118: {  	[sflag:s6] =	ssyncset.done $0x0  }
0x119: {  	s24 =	sadd.s32 s5, s24;
	[sflag:s6] =	ssyncadd.s32 $0xFFFFF800  }
0x11a: {  	[tilespmem:s13], [sflag:$0x2] =	stream.linear.gather [hbm4b:s24+s20], $0x800, $0x38;
	[tilespmem:$0x17FC0] =	vst v63  }
0x11b: {  	_ =	swait.ge [sflag:s6], $0x800  }
0x11c: {  	[sflag:s6] =	ssyncset.done $0x0  }
0x11d: {  	s29 =	simm.s32 $0x0;
	[sflag:s6] =	ssyncadd.s32 $0xFFFFF800  }
0x11e: {  	v6 =	vld [tilespmem:s29+$0x16FA0];
	_ =	sdelay $0x1  }
0x11f: {  	v7 =	vld [tilespmem:s29+$0x177A0];
	_ =	sdelay $0x2  }
0x120: {  	v6 =	vshll.u32 v6, $0x4  }
0x121: {  	v6 =	vxor.u32 v4, v6  }
0x122: {  	(xrf1) =	vsort.ascd.msk.u32 $0xffff, v6, v7;
	_ =	sdelay $0xd  }
0x123: {  	v7, v8, _ =	vpop (xrf1)  }
0x124: {  	v6 =	vshrl.u32 v7, $0x4  }
0x125: {  	v6 =	vxor.u32 $0x8000000, v6  }
0x126: {  	[tilespmem:$0x17FA0] =	vst v6  }
0x127: {  	v9 =	vld [tilespmem:$0x17FA1];
	_ =	sdelay $0x4  }
0x128: {  	v10 =	vsub.s32 v6, v2;
	vm1 =	vge.u32 v6, v2;
	vm0 =	vne.s32 v6, v9  }
0x129: {  	vm2 =	vlt.u32 v6, v5;
	vm0 =	vmand vm0, vm1;
	vm1 =	vgt.s32 v10, $0x0  }
0x12a: {  	v6 =	vnsel vm1, $0x0, v10;
	vm0 =	vmand vm2, vm0  }
0x12b: {  	v6 =	vmin.u32 v6, $0x199F;
	_ =	sdelay $0x3  }
0x12c: {  	v7 =	vand.u32 $0xF, v7  }
0x12d: {  	s28 =	simm.s32 $0x80;
	s25 =	simm.s32 $0x40;
	s24 =	smov.u32 s21;
	v7 =	vor.u32 s21, v7;
	[tilespmem:v6+s16+$0x0] =	vst.idx.msk vm0, v8  }
.LBB2_15:
0x12e: {  	s29 =	sshra.s32 s25, $0x2  }
0x12f: {  	[tilespmem:v6+s17+$0x0] =	vst.idx.msk vm0, v7;
	s24 =	sadd.s32 $0x10, s24;
	s25 =	smov.u32 s28;
	s26 =	sadd.s32 $0x40, s28  }
0x130: {  	p1 =	sne.s32 s28, $0x1FC0;
	v6 =	vld [tilespmem:s29+$0x16FA0];
	_ =	sdelay $0x1  }
0x131: {  	v7 =	vld [tilespmem:s29+$0x177A0];
	_ =	sdelay $0x2  }
0x132: {  	v6 =	vshll.u32 v6, $0x4  }
0x133: {  	v6 =	vxor.u32 v4, v6  }
0x134: {  	(xrf1) =	vsort.ascd.msk.u32 $0xffff, v6, v7;
	_ =	sdelay $0xd  }
0x135: {  	v6, v8, _ =	vpop (xrf1)  }
0x136: {  	v7 =	vshrl.u32 v6, $0x4;
	v9 =	vand.u32 $0xF, v6  }
0x137: {  	v6 =	vxor.u32 $0x8000000, v7  }
0x138: {  	[tilespmem:$0x17FA0] =	vst v6;
	v7 =	vsub.s32 v6, v2  }
0x139: {  	v10 =	vld [tilespmem:$0x17FA1];
	vm0 =	vgt.s32 v7, $0x0  }
0x13a: {  	v7 =	vnsel vm0, $0x0, v7;
	_ =	sdelay $0x3  }
0x13b: {  	vm1 =	vge.u32 v6, v2;
	vm0 =	vne.s32 v6, v10  }
0x13c: {  	vm0 =	vmand vm0, vm1;
	vm1 =	vlt.u32 v6, v5  }
0x13d: {  	vm0 =	vmand vm1, vm0  }
0x13e: {  	v6 =	vmin.u32 v7, $0x199F  }
.Ltmp6:
0x13f: {  	(pc) =	sbr.rel @p1 .LBB2_15-.Ltmp6, $2  }
0x140: {  	_ =	sdelay $0x2  }
0x141: {  	s28 =	smov.u32 s26;
	v7 =	vor.u32 s24, v9;
	[tilespmem:v6+s16+$0x0] =	vst.idx.msk vm0, v8  }
0x142: {  	_ =	sdelay $0x4  }
0x143: {  	s25 =	sshra.s32 s25, $0x2;
	[tilespmem:v6+s17+$0x0] =	vst.idx.msk vm0, v7  }
0x144: {  	v6 =	vld [tilespmem:s25+$0x16FA0];
	_ =	sdelay $0x1  }
0x145: {  	v7 =	vld [tilespmem:s25+$0x177A0];
	_ =	sdelay $0x2  }
0x146: {  	v6 =	vshll.u32 v6, $0x4  }
0x147: {  	v6 =	vxor.u32 v4, v6  }
0x148: {  	(xrf1) =	vsort.ascd.msk.u32 $0xffff, v6, v7;
	_ =	sdelay $0xd  }
0x149: {  	v6, v7, _ =	vpop (xrf1)  }
0x14a: {  	v8 =	vshrl.u32 v6, $0x4  }
0x14b: {  	v8 =	vxor.u32 $0x8000000, v8  }
0x14c: {  	[tilespmem:$0x17FA0] =	vst v8  }
0x14d: {  	v9 =	vld [tilespmem:$0x17FA1];
	_ =	sdelay $0x4  }
0x14e: {  	v10 =	vsub.s32 v8, v2;
	vm1 =	vge.u32 v8, v2;
	vm14 =	vne.s32 v8, v9  }
0x14f: {  	vm2 =	vlt.u32 v8, v5;
	vm15 =	vgt.s32 v10, $0x0;
	vm0 =	vmand vm14, vm1  }
0x150: {  	v63 =	vnsel vm15, $0x0, v10;
	vm0 =	vmand vm2, vm0  }
0x151: {  	s23 =	sadd.s32 $0x1, s23;
	v8 =	vmin.u32 v63, $0x199F  }
0x152: {  	p1 =	sne.s32 s23, $0x8  }
.Ltmp7:
0x153: {  	_ = 	snop;
	(pc) =	sbr.rel @p1 .LBB2_14-.Ltmp7, $4  }
0x154: {  	_ = 	snop  }
0x155: {  	s24 =	sadd.s32 $0x10, s24;
	v6 =	vand.u32 $0xF, v6  }
0x156: {  	v6 =	vor.u32 s24, v6;
	[tilespmem:v8+s16+$0x0] =	vst.idx.msk vm0, v7  }
0x157: {  	s21 =	sadd.s32 $0x800, s21;
	[tilespmem:v8+s17+$0x0] =	vst.idx.msk vm0, v6  }
0x158: {  	s20 =	rddreg [dreg:$0x17]  }
0x159: {  	[hbm4b:s20+s8] =	stream.linear.scatter [tilespmem:s17], [sflag:$0x2], $0x1860, $0x38;
	[tilespmem:$0x17FC0] =	vst v63  }
0x15a: {  	_ =	swait.ge [sflag:s6], $0x1860  }
0x15b: {  	[sflag:s6] =	ssyncset.done $0x0  }
0x15c: {  	s21 =	simm.s32 @p0 $0x13C60;
	s20 =	simm.s32 @p0 $0x0;
	[sflag:s6] =	ssyncadd.s32 $0xFFFFE7A0  }
0x15d: {  	[hbm4b:s22+s20] =	stream.linear.scatter @p0 [tilespmem:s21], [sflag:$0x2], $0x1860, $0x38;
	[tilespmem:$0x17FC0] =	vst v63  }
0x15e: {  	s20 =	simm.s32 @p0 $0x2  }
0x15f: {  	_ =	swait.ge @p0 [sflag:s20], $0x1860  }
0x160: {  	s21 =	simm.s32 @!p0 $0x16E60;
	[sflag:s20] =	ssyncset.done @p0 $0x0  }
0x161: {  	s23 =	rddreg [dreg:$0x1d];
	[sflag:s20] =	ssyncadd.s32 @p0 $0xFFFFE7A0;
	s20 =	simm.s32 @!p0 $0x0  }
0x162: {  	[hbm4b:s23+s20] =	stream.linear.scatter @!p0 [tilespmem:s21], [sflag:$0x2], $0x140, $0x38;
	[tilespmem:$0x17FC0] =	vst v63  }
0x163: {  	s21 =	simm.s32 @!p0 $0x2  }
0x164: {  	_ =	swait.ge @!p0 [sflag:s21], $0x140  }
0x165: {  	[sflag:s21] =	ssyncset.done @!p0 $0x0  }
0x166: {  	s23 =	simm.s32 @!p0 $0x13C60;
	[sflag:s21] =	ssyncadd.s32 @!p0 $0xFFFFFEC0  }
0x167: {  	[hbm4b:s22+s20] =	stream.linear.scatter @!p0 [tilespmem:s23], [sflag:$0x2], $0x1860, $0x38;
	[tilespmem:$0x17FC0] =	vst v63  }
0x168: {  	s19 =	sadd.s32 $0x1, s19;
	_ =	swait.ge @!p0 [sflag:s21], $0x1860  }
0x169: {  	p1 =	sne.s32 s19, s31;
	[sflag:s21] =	ssyncset.done @!p0 $0x0  }
.Ltmp8:
0x16a: {  	s23 =	simm.s32 @!p0 $0x154C0;
	[sflag:s21] =	ssyncadd.s32 @!p0 $0xFFFFE7A0;
	(pc) =	sbr.rel @p1 .LBB2_1-.Ltmp8, $4  }
0x16b: {  	[hbm4b:s30+s20] =	stream.linear.scatter @!p0 [tilespmem:s23], [sflag:$0x2], $0x140, $0x38;
	[tilespmem:$0x17FC0] =	vst v63  }
0x16c: {  	_ =	swait.ge @!p0 [sflag:s21], $0x140  }
0x16d: {  	[sflag:s21] =	ssyncset.done @!p0 $0x0  }
0x16e: {  	[sflag:s21] =	ssyncadd.s32 @!p0 $0xFFFFFEC0  }
0x16f: {  	_ =	sfence.sel $0x180000  }
0x170: {  	[bflag:$0x0] =	sbarrier.arrive $0xFFFF  }
0x171: {  	_ =	strace $0x90000047  }
0x172: {  	s0 =	stileid.u32;
	[bflag:$0x2] =	sbarrier.arrive $0xFFFF  }
0x173: {  	p0 =	sne.s32 s0, $0x0;
	s0 =	rddreg [dreg:$0xb]  }
0x174: {  	s0 =	sadd.s32 @!p0 $0x100000, s0  }
0x175: {  	[sflag:s0] =	ssyncadd.tile.s32 @!p0 $0x1;
	_ =	shalt  }
.Lfunc_end2:
_tile_overlayer_lowered:
.L_overlay_start_2:
0x176: {  	(tag) =	ssettag $0x2  }
0x177: {  	s0 =	rddreg [dreg:$0x0];
	s2 =	stileid.u32  }
0x178: {  	s1 =	rddreg [dreg:$0x1];
	p0 =	sne.s32 s2, $0x0  }
0x179: {  	s3 =	rddreg [dreg:$0x2];
	[bflag:$0x3] =	sbarrier.arrive $0xFFFF;
	s2 =	simm.s32 @!p0 $0x1C02  }
0x17a: {  	[timem:s3], [sflag:s2] =	dma.local @!p0 [hbm:s0], s1  }
0x17b: {  	s0 =	simm.s32 @!p0 $0x2  }
0x17c: {  	_ =	swait.ge @!p0 [sflag:s0], s1  }
0x17d: {  	s1 =	ssub.s32 @!p0 $0x0, s1;
	[sflag:s0] =	ssyncset.done @!p0 $0x0  }
0x17e: {  	[sflag:s0] =	ssyncadd.s32 @!p0 s1  }
0x17f: {  	[bflag:$0x3] =	sbarrier.arrive $0xFFFF  }
0x180: {  	_ =	shalt  }

// kernel: kernel.8.cloned.1.call-start
scs
__scs_entry_jumppad:
0x0: {  	(pc) =	sbr.rel $0x88, $3  }
0x1: {  	(tag) =	ssettag $0x0;
	lr =	simm.s32 $0x1  }
0x2: {  	[smem:$0x3F87] =	sst lr;
	_ =	strace $0xD0000000  }
0x3: {  	_ = 	snop  }
0x4: {  	_ = 	snop  }
0x5: {  	_ = 	snop  }
0x6: {  	_ = 	snop  }
0x7: {  	_ = 	snop  }
__scs_overlays_trampoline_lowered:
0x8: {  	[smem:$0x3F96] =	sst s0  }
0x9: {  	[smem:$0x3F97] =	sst s1  }
0xa: {  	[smem:$0x3F98] =	sst s2  }
0xb: {  	[smem:$0x3F99] =	sst s3  }
0xc: {  	[smem:$0x3F9A] =	sst s4  }
0xd: {  	[smem:$0x3F9B] =	sst s5  }
0xe: {  	[smem:$0x3F9C] =	sst s6  }
0xf: {  	[smem:$0x3F9D] =	sst s7  }
0x10: {  	[smem:$0x3F9E] =	sst s8  }
0x11: {  	[smem:$0x3F9F] =	sst s9;
	s0 =	simm.s32 @!p0 $0x0  }
0x12: {  	s1 =	sld [smem:$0x3F85];
	s0 =	simm.s32 @p0 $0x1  }
0x13: {  	[smem:$0x3FA0] =	sst s0;
	s0 =	simm.s32 @!p1 $0x0  }
0x14: {  	s2 =	sld [smem:$0x3F84];
	s0 =	simm.s32 @p1 $0x1  }
0x15: {  	[smem:$0x3FA1] =	sst s0;
	s0 =	simm.s32 @!p2 $0x0  }
0x16: {  	s3 =	sld [smem:$0x3FDB];
	s0 =	simm.s32 @p2 $0x1  }
0x17: {  	s4 =	simm.s32 $0x1BF5;
	[smem:$0x3FA3] =	sst s0  }
0x18: {  	s0 =	sld [smem:$0x3F86];
	_ =	swait.ge [sflag:s4], $0x0  }
0x19: {  	s7 =	sld [smem:$0x3F87]  }
0x1a: {  	s8 =	sadd.s32 $0xFFFFE003, lr  }
0x1b: {  	s9 =	sadd.s32 $0xFFFFFEF7, lr;
	s5 =	simm.s32 $0xFFFFFFFF;
	p2 =	slt.u32 s8, $0xFFFFF086  }
0x1c: {  	p1 =	slt.u32 s9, $0xF7A;
	s5 =	simm.s32 @!p2 $0x0  }
0x1d: {  	s5 =	simm.s32 @p1 $0x1;
	p0 =	seq.s32 s7, s2  }
0x1e: {  	s7 =	smul.u32 @!p0 $0xF7A, s2;
	p2 =	seq.s32 @!p0 s5, $0x0  }
0x1f: {  	s9 =	smul.u32 $0xF7A, s1;
	s8 =	simm.s32 @!p0 $0x1BF5;
	p2 =	por !p2, p0  }
0x20: {  	[sflag:s8] =	ssyncset.s32 @!p0 $0xFFFFF086;
	s6 =	sadd.s32 @!p0 s3, s7;
	s7 =	simm.s32 @!p0 $0x108  }
0x21: {  	s3 =	sadd.s32 s3, s9;
	s6 =	sadd.s32 @!p0 $0x88, s6;
	s7 =	simm.s32 @p2 $0x1082  }
0x22: {  	[simem:s7], [sflag:s8] =	dma.local @!p0 [hbm:s6], $0xF7A  }
0x23: {  	s9 =	sor.u32 $0xD0000000, s2;
	s6 =	simm.s32 $0x108;
	_ =	swait.ge @!p0 [sflag:s8], $0x0  }
0x24: {  	s3 =	sadd.s32 $0x88, s3;
	s6 =	simm.s32 @!p1 $0x1082;
	[sflag:s4] =	ssyncset.s32 $0xFFFFF086  }
0x25: {  	[simem:s6], [sflag:s4] =	dma.local [hbm:s3], $0xF7A  }
0x26: {  	[smem:$0x3F87] =	sst s1;
	(tag) =	ssettag s2;
	_ =	strace s9  }
0x27: {  	s1 =	sld [smem:$0x3F97]  }
0x28: {  	s2 =	sld [smem:$0x3F98]  }
0x29: {  	s4 =	sld [smem:$0x3F9A]  }
0x2a: {  	p0 =	seq.s32 s5, $0x0;
	s5 =	sld [smem:$0x3F9B]  }
0x2b: {  	s6 =	sld [smem:$0x3F9C]  }
0x2c: {  	s7 =	sld [smem:$0x3F9D]  }
0x2d: {  	s3 =	simm.s32 $0x108;
	s8 =	sld [smem:$0x3F9E]  }
0x2e: {  	s3 =	simm.s32 @!p0 $0x1082;
	s9 =	sld [smem:$0x3F9F]  }
0x2f: {  	lr =	sadd.s32 s0, s3;
	s0 =	sld [smem:$0x3F96]  }
0x30: {  	s3 =	sld [smem:$0x3F99]  }
0x31: {  	[smem:$0x3FA2] =	sst s10  }
0x32: {  	s10 =	sld [smem:$0x3FA0];
	_ =	sdelay $0x3  }
0x33: {  	p0 =	seq.s32 s10, $0x1;
	s10 =	sld [smem:$0x3FA2];
	_ =	sdelay $0x3  }
0x34: {  	[smem:$0x3FA2] =	sst s10  }
0x35: {  	s10 =	sld [smem:$0x3FA1];
	_ =	sdelay $0x3  }
0x36: {  	p1 =	seq.s32 s10, $0x1;
	s10 =	sld [smem:$0x3FA2];
	_ =	sdelay $0x3  }
0x37: {  	[smem:$0x3FA2] =	sst s10  }
0x38: {  	s10 =	sld [smem:$0x3FA3]  }
0x39: {  	_ = 	snop;
	(pc) =	sbr.ind lr, $3  }
0x3a: {  	_ = 	snop  }
0x3b: {  	_ = 	snop  }
0x3c: {  	p2 =	seq.s32 s10, $0x1;
	s10 =	sld [smem:$0x3FA2]  }
0x3d: {  	_ =	shalt  }
0x3e: {  	_ =	shalt  }
0x3f: {  	_ =	shalt  }
0x40: {  	_ =	shalt  }
0x41: {  	_ =	shalt  }
0x42: {  	_ =	shalt  }
0x43: {  	_ =	shalt  }
0x44: {  	_ =	shalt  }
0x45: {  	_ =	shalt  }
0x46: {  	_ =	shalt  }
0x47: {  	_ =	shalt  }
0x48: {  	_ =	shalt  }
0x49: {  	_ =	shalt  }
0x4a: {  	_ =	shalt  }
0x4b: {  	_ =	shalt  }
0x4c: {  	_ =	shalt  }
0x4d: {  	_ =	shalt  }
0x4e: {  	_ =	shalt  }
0x4f: {  	_ =	shalt  }
0x50: {  	_ =	shalt  }
0x51: {  	_ =	shalt  }
0x52: {  	_ =	shalt  }
0x53: {  	_ =	shalt  }
0x54: {  	_ =	shalt  }
0x55: {  	_ =	shalt  }
0x56: {  	_ =	shalt  }
0x57: {  	_ =	shalt  }
0x58: {  	_ =	shalt  }
0x59: {  	_ =	shalt  }
0x5a: {  	_ =	shalt  }
0x5b: {  	_ =	shalt  }
0x5c: {  	_ =	shalt  }
0x5d: {  	_ =	shalt  }
0x5e: {  	_ =	shalt  }
0x5f: {  	_ =	shalt  }
0x60: {  	_ =	shalt  }
0x61: {  	_ =	shalt  }
0x62: {  	_ =	shalt  }
0x63: {  	_ =	shalt  }
0x64: {  	_ =	shalt  }
0x65: {  	_ =	shalt  }
0x66: {  	_ =	shalt  }
0x67: {  	_ =	shalt  }
0x68: {  	_ =	shalt  }
0x69: {  	_ =	shalt  }
0x6a: {  	_ =	shalt  }
0x6b: {  	_ =	shalt  }
0x6c: {  	_ =	shalt  }
0x6d: {  	_ =	shalt  }
0x6e: {  	_ =	shalt  }
0x6f: {  	_ =	shalt  }
0x70: {  	_ =	shalt  }
0x71: {  	_ =	shalt  }
0x72: {  	_ =	shalt  }
0x73: {  	_ =	shalt  }
0x74: {  	_ =	shalt  }
0x75: {  	_ =	shalt  }
0x76: {  	_ =	shalt  }
0x77: {  	_ =	shalt  }
0x78: {  	_ =	shalt  }
0x79: {  	_ =	shalt  }
0x7a: {  	_ =	shalt  }
0x7b: {  	_ =	shalt  }
0x7c: {  	_ =	shalt  }
0x7d: {  	_ =	shalt  }
0x7e: {  	_ =	shalt  }
0x7f: {  	_ =	shalt  }
0x80: {  	_ =	shalt  }
0x81: {  	_ =	shalt  }
0x82: {  	_ =	shalt  }
0x83: {  	_ =	shalt  }
0x84: {  	_ =	shalt  }
0x85: {  	_ =	shalt  }
0x86: {  	_ =	shalt  }
0x87: {  	_ =	shalt  }
.Lfunc_end0:
.L_simem_size_0:
called_computation.1_lowered:
.L_overlay_start_0:
0x88: {  	s2 =	sld [smem:$0x3FD9]  }
0x89: {  	s3 =	sld [smem:$0x3FFE];
	_ =	sdelay $0x1  }
0x8a: {  	s1 =	srdreg.scid  }
0x8b: {  	s0 =	sand.u32 $0x1, s1  }
0x8c: {  	s14 =	sshll.u32 s0, $0xA;
	s2 =	sadd.s32 s3, s2  }
0x8d: {  	s2 =	sadd.s32 s2, s14  }
0x8e: {  	[smem:$0x3FAE] =	sst s2  }
0x8f: {  	_ = 	snop  }
0x90: {  	s2 =	sld [smem:$0x3FD0]  }
0x91: {  	s15 =	sld [smem:$0x3FC9]  }
0x92: {  	s4 =	sld [smem:$0x3FC8]  }
0x93: {  	s6 =	simm.s32 $0xA;
	s7 =	simm.s32 $0x10;
	s5 =	sld [smem:$0x3FC7]  }
0x94: {  	[smem:s7], [sflag:s6] =	dma.local [hbm:s2], $0x1  }
0x95: {  	_ =	swait.eq [sflag:s6], $0x1  }
0x96: {  	[sflag:s6] =	ssyncset.done $0x0  }
0x97: {  	[sflag:s6] =	ssyncadd.s32 $0xFFFFFFFF  }
0x98: {  	s16 =	sld [smem:$0x10];
	(tm) =	ssettm $0x1  }
0x99: {  	s17 =	sld [smem:$0x3FFB];
	_ =	sdelay $0x3  }
0x9a: {  	_ =	strace s17  }
0x9b: {  	s6 =	sld [smem:$0x3FFC];
	_ =	sdelay $0x3  }
0x9c: {  	_ =	strace s6  }
0x9d: {  	s6 =	sld [smem:$0x3FFD];
	_ =	sdelay $0x3  }
0x9e: {  	_ =	strace s6  }
0x9f: {  	_ =	strace $0x8FFFFFFF  }
0xa0: {  	s18 =	sld [smem:$0x3FDB];
	_ =	sdelay $0x1  }
0xa1: {  	s19 =	simm.s32 $_scs_section_size  }
0xa2: {  	s8 =	simm.s32 $_size__tile_overlayer_lowered;
	s9 =	simm.s32 $_tile_overlayer_lowered  }
0xa3: {  	s22 =	simm.s32 $0x1BFF;
	s21 =	sshll.u32 s9, $0x1;
	s6 =	sadd.s32 s19, s18  }
0xa4: {  	s10 =	simm.s32 $0x0;
	s20 =	sshll.u32 s8, $0x1;
	s8 =	sadd.s32 s21, s6  }
0xa5: {  	[timem:s10], [sflag:s22] =	dma.local [hbm:s8], s20  }
0xa6: {  	_ =	swait.ge [sflag:s22], s20  }
0xa7: {  	s7 =	ssub.s32 $0x0, s20;
	[sflag:s22] =	ssyncset.done $0x0  }
0xa8: {  	[sflag:s22] =	ssyncadd.s32 s7;
	_ =	sdelay $0x1  }
0xa9: {  	s23 =	simm.s32 $0x1B8B  }
0xaa: {  	_ =	swait.ge [sflag:s23], $0x1  }
0xab: {  	[sflag:s23] =	ssyncset.done $0x0  }
0xac: {  	s25 =	simm.s32 $0x1B8E;
	s24 =	sld [smem:$0x3FFE];
	[sflag:s23] =	ssyncadd.s32 $0xFFFFFFFF  }
0xad: {  	s26 =	simm.s32 $execute0_lowered;
	[smem:$0x3FD2] =	sst s25  }
0xae: {  	s8 =	sshll.u32 s26, $0x1;
	_ =	strace $0x80000049;
	[dreg:$0x1] =	wrdreg $0xFFFFFFFF  }
0xaf: {  	s28 =	simm.s32 $_size_execute0_lowered;
	s6 =	sadd.s32 s6, s8;
	[dreg:$0x0] =	wrdreg $0x0  }
0xb0: {  	s8 =	sshll.u32 s28, $0x1;
	[dreg:$0x2] =	wrdreg s6  }
0xb1: {  	[dreg:$0x3] =	wrdreg s8  }
0xb2: {  	[dreg:$0x4] =	wrdreg $0xC0  }
0xb3: {  	_ =	task [dreg:s10], $0x5FFFF  }
0xb4: {  	[dreg:$0x1] =	wrdreg $0xFFFFFFFF  }
0xb5: {  	[dreg:$0x0] =	wrdreg $0x60  }
0xb6: {  	[dreg:$0x2] =	wrdreg s15  }
0xb7: {  	[dreg:$0x3] =	wrdreg s4  }
0xb8: {  	[dreg:$0x4] =	wrdreg s5  }
0xb9: {  	[dreg:$0x5] =	wrdreg s24  }
0xba: {  	[dreg:$0x6] =	wrdreg s16  }
0xbb: {  	[dreg:$0x7] =	wrdreg $0x9  }
0xbc: {  	_ =	task.clear_ibuf [dreg:s10], $0x8FFFF;
	_ =	strace $0x90000049  }
0xbd: {  	s29 =	simm.s32 $0x9;
	_ =	strace $0x8000004B  }
0xbe: {  	_ =	swait.ge [sflag:s29], $0x1  }
0xbf: {  	[sflag:s29] =	ssyncadd.s32 $0xFFFFFFFF  }
0xc0: {  	_ =	strace $0x9000004B  }
0xc1: {  	_ =	sfence  }
0xc2: {  	s30 =	sld [smem:$0x0];
	_ =	sdelay $0x2  }
0xc3: {  	s31 =	sshll.u32 s1, $0xD;
	s1 =	sshrl.u32 s1, $0x2  }
0xc4: {  	s3 =	sand.u32 $0x4000, s31;
	s1 =	sadd.s32 s1, s30  }
0xc5: {  	s0 =	sor.u32 s3, s0;
	s1 =	sshll.u32 s1, $0x11  }
0xc6: {  	s0 =	sor.u32 s1, s0  }
0xc7: {  	s0 =	sadd.s32 $0x8F2B, s0  }
0xc8: {  	[sflag:s0] =	ssyncadd.remote.s32 $0x1  }
0xc9: {  	_ =	sfence.sel $0xFFFF  }
0xca: {  	[dreg:$0x0] =	wrdreg $0xFFFFFFFF;
	(pc) =	sbr.abs _section_cstart, $3  }
0xcb: {  	[dreg:$0x1] =	wrdreg $0xFFFFFFFF  }
0xcc: {  	_ =	task.clear_ibuf [dreg:s10], $0x2FFFF;
	_ =	strace $0x9FFFFFFF  }
0xcd: {  	(tm) =	ssettm $0x7FFFFFFF  }
tec
execute0_lowered:
.L_overlay_start_1:
0x0: {  	(tag) =	ssettag $0x1  }
0x1: {  	s3 =	rddreg [dreg:$0x0]  }
0x2: {  	s11 =	rddreg [dreg:$0x1]  }
0x3: {  	s15 =	rddreg [dreg:$0x2];
	s1 =	srdreg.scid  }
0x4: {  	s17 =	rddreg [dreg:$0x3];
	s0 =	stileid.u32;
	s19 =	sand.u32 $0x1, s1  }
0x5: {  	s18 =	rddreg [dreg:$0x4];
	s4 =	sshll.u32 s0, $0xA;
	s5 =	sshll.u32 s19, $0x9  }
0x6: {  	s2 =	simm.s32 $0x0;
	s1 =	rddreg [dreg:$0x5];
	s10 =	sor.u32 s5, s4  }
0x7: {  	[smem:$0x7FF] =	sst s2;
	s16 =	sshrl.u32 s10, $0x3  }
0x8: {  	_ =	strace $0x8000004A;
	s4 =	sadd.s32 s3, s16;
	s3 =	simm.s32 $0x2  }
0x9: {  	[tilespmem:s2], [sflag:$0x2] =	stream.linear.gather [hbm4b:s4+s2], $0x200, $0x38;
	[tilespmem:$0x8400] =	vst v63  }
0xa: {  	_ =	swait.ge [sflag:s3], $0x200  }
0xb: {  	s6 =	simm.s32 $0x200;
	[sflag:s3] =	ssyncset.done $0x0  }
0xc: {  	s7 =	simm.s32 $0x1;
	s5 =	sadd.s32 $0x63000, s17;
	[sflag:s3] =	ssyncadd.s32 $0xFFFFFE00  }
0xd: {  	[tilespmem:s6], [sflag:$0x1] =	stream.indirect.gather [hbm4b:s5+s6], $0x1, s2, s6, $0xb8;
	[tilespmem:$0x8400] =	vst v63  }
0xe: {  	_ =	swait.ge [sflag:s7], $0x200  }
0xf: {  	[sflag:s7] =	ssyncset.done $0x0  }
0x10: {  	s9 =	simm.s32 $0x400;
	s8 =	sadd.s32 $0x43000, s17;
	[sflag:s7] =	ssyncadd.s32 $0xFFFFFE00  }
0x11: {  	[tilespmem:s9], [sflag:$0x1] =	stream.indirect.gather [hbm4b:s8+s6], $0x40, s6, s6, $0xb8;
	[tilespmem:$0x8400] =	vst v63  }
0x12: {  	_ =	swait.ge [sflag:s7], $0x8000  }
0x13: {  	s20 =	sshll.u32 s10, $0x3;
	[sflag:s7] =	ssyncset.done $0x0  }
0x14: {  	s10 =	sadd.s32 s18, s20;
	[sflag:s7] =	ssyncadd.s32 $0xFFFF8000  }
0x15: {  	[hbm4b:s10+s2] =	stream.linear.scatter [tilespmem:s9], [sflag:$0x2], $0x8000, $0x38;
	[tilespmem:$0x8400] =	vst v63  }
0x16: {  	_ =	swait.ge [sflag:s3], $0x8000  }
0x17: {  	[sflag:s3] =	ssyncset.done $0x0  }
0x18: {  	s11 =	sadd.s32 s11, s16;
	[sflag:s3] =	ssyncadd.s32 $0xFFFF8000  }
0x19: {  	[tilespmem:s2], [sflag:$0x2] =	stream.linear.gather [hbm4b:s11+s2], $0x200, $0x38;
	[tilespmem:$0x8400] =	vst v63  }
0x1a: {  	_ =	swait.ge [sflag:s3], $0x200  }
0x1b: {  	[sflag:s3] =	ssyncset.done $0x0  }
0x1c: {  	s12 =	sadd.s32 $0x72600, s17;
	[sflag:s3] =	ssyncadd.s32 $0xFFFFFE00  }
0x1d: {  	[tilespmem:s6], [sflag:$0x1] =	stream.indirect.gather [hbm4b:s12+s6], $0x1, s2, s6, $0xb8;
	[tilespmem:$0x8400] =	vst v63  }
0x1e: {  	_ =	swait.ge [sflag:s7], $0x200  }
0x1f: {  	[sflag:s7] =	ssyncset.done $0x0  }
0x20: {  	s13 =	sadd.s32 $0x23000, s17;
	[sflag:s7] =	ssyncadd.s32 $0xFFFFFE00  }
0x21: {  	[tilespmem:s9], [sflag:$0x1] =	stream.indirect.gather [hbm4b:s13+s6], $0x40, s6, s6, $0xb8;
	[tilespmem:$0x8400] =	vst v63  }
0x22: {  	_ =	swait.ge [sflag:s7], $0x8000  }
0x23: {  	s14 =	sadd.s32 $0x20000, s18;
	[sflag:s7] =	ssyncset.done $0x0  }
0x24: {  	s14 =	sadd.s32 s20, s14;
	[sflag:s7] =	ssyncadd.s32 $0xFFFF8000  }
0x25: {  	[hbm4b:s14+s2] =	stream.linear.scatter [tilespmem:s9], [sflag:$0x2], $0x8000, $0x38;
	[tilespmem:$0x8400] =	vst v63  }
0x26: {  	_ =	swait.ge [sflag:s3], $0x8000  }
0x27: {  	[sflag:s3] =	ssyncset.done $0x0  }
0x28: {  	s15 =	sadd.s32 s15, s16;
	[sflag:s3] =	ssyncadd.s32 $0xFFFF8000  }
0x29: {  	[tilespmem:s2], [sflag:$0x2] =	stream.linear.gather [hbm4b:s15+s2], $0x200, $0x38;
	[tilespmem:$0x8400] =	vst v63  }
0x2a: {  	_ =	swait.ge [sflag:s3], $0x200  }
0x2b: {  	[sflag:s3] =	ssyncset.done $0x0  }
0x2c: {  	s19 =	ssub.s32 $0x2, s19;
	s16 =	sadd.s32 $0x81C00, s17;
	[sflag:s3] =	ssyncadd.s32 $0xFFFFFE00  }
0x2d: {  	[tilespmem:s6], [sflag:$0x1] =	stream.indirect.gather [hbm4b:s16+s6], $0x1, s2, s6, $0xb8;
	[tilespmem:$0x8400] =	vst v63  }
0x2e: {  	s21 =	sshrl.u32 s19, $0x1;
	_ =	swait.ge [sflag:s7], $0x200  }
0x2f: {  	s19 =	ssub.s32 s19, s21;
	[sflag:s7] =	ssyncset.done $0x0  }
0x30: {  	s17 =	sadd.s32 $0x3000, s17;
	s19 =	smax.u32 s19, $0x1;
	[sflag:s7] =	ssyncadd.s32 $0xFFFFFE00  }
0x31: {  	[tilespmem:s9], [sflag:$0x1] =	stream.indirect.gather [hbm4b:s17+s6], $0x40, s6, s6, $0xb8;
	[tilespmem:$0x8400] =	vst v63  }
0x32: {  	p0 =	sne.s32 s19, $0x1;
	_ =	swait.ge [sflag:s7], $0x8000  }
.Ltmp0:
0x33: {  	s18 =	sadd.s32 $0x40000, s18;
	[sflag:s7] =	ssyncset.done $0x0;
	(pc) =	sbr.rel @!p0 .LBB2_2-.Ltmp0, $4  }
0x34: {  	s18 =	sadd.s32 s20, s18;
	[sflag:s7] =	ssyncadd.s32 $0xFFFF8000  }
0x35: {  	[hbm4b:s18+s2] =	stream.linear.scatter [tilespmem:s9], [sflag:$0x2], $0x8000, $0x38;
	[tilespmem:$0x8400] =	vst v63  }
0x36: {  	_ =	swait.ge [sflag:s3], $0x8000  }
0x37: {  	s19 =	sadd.s32 $0xFFFFFFFF, s19;
	[sflag:s3] =	ssyncset.done $0x0  }
.LBB2_1:
0x38: {  	p0 =	sne.s32 s19, $0x1;
	s19 =	sadd.s32 $0xFFFFFFFF, s19;
	[sflag:s3] =	ssyncadd.s32 $0xFFFF8000  }
0x39: {  	[tilespmem:s2], [sflag:$0x2] =	stream.linear.gather [hbm4b:s4+s2], $0x200, $0x38;
	[tilespmem:$0x8400] =	vst v63  }
0x3a: {  	_ =	swait.ge [sflag:s3], $0x200  }
0x3b: {  	[sflag:s3] =	ssyncset.done $0x0  }
0x3c: {  	[sflag:s3] =	ssyncadd.s32 $0xFFFFFE00  }
0x3d: {  	[tilespmem:s6], [sflag:$0x1] =	stream.indirect.gather [hbm4b:s5+s6], $0x1, s2, s6, $0xb8;
	[tilespmem:$0x8400] =	vst v63  }
0x3e: {  	_ =	swait.ge [sflag:s7], $0x200  }
0x3f: {  	[sflag:s7] =	ssyncset.done $0x0  }
0x40: {  	[sflag:s7] =	ssyncadd.s32 $0xFFFFFE00  }
0x41: {  	[tilespmem:s9], [sflag:$0x1] =	stream.indirect.gather [hbm4b:s8+s6], $0x40, s6, s6, $0xb8;
	[tilespmem:$0x8400] =	vst v63  }
0x42: {  	_ =	swait.ge [sflag:s7], $0x8000  }
0x43: {  	[sflag:s7] =	ssyncset.done $0x0  }
0x44: {  	[sflag:s7] =	ssyncadd.s32 $0xFFFF8000  }
0x45: {  	[hbm4b:s10+s2] =	stream.linear.scatter [tilespmem:s9], [sflag:$0x2], $0x8000, $0x38;
	[tilespmem:$0x8400] =	vst v63  }
0x46: {  	_ =	swait.ge [sflag:s3], $0x8000  }
0x47: {  	[sflag:s3] =	ssyncset.done $0x0  }
0x48: {  	[sflag:s3] =	ssyncadd.s32 $0xFFFF8000  }
0x49: {  	[tilespmem:s2], [sflag:$0x2] =	stream.linear.gather [hbm4b:s11+s2], $0x200, $0x38;
	[tilespmem:$0x8400] =	vst v63  }
0x4a: {  	_ =	swait.ge [sflag:s3], $0x200  }
0x4b: {  	[sflag:s3] =	ssyncset.done $0x0  }
0x4c: {  	[sflag:s3] =	ssyncadd.s32 $0xFFFFFE00  }
0x4d: {  	[tilespmem:s6], [sflag:$0x1] =	stream.indirect.gather [hbm4b:s12+s6], $0x1, s2, s6, $0xb8;
	[tilespmem:$0x8400] =	vst v63  }
0x4e: {  	_ =	swait.ge [sflag:s7], $0x200  }
0x4f: {  	[sflag:s7] =	ssyncset.done $0x0  }
0x50: {  	[sflag:s7] =	ssyncadd.s32 $0xFFFFFE00  }
0x51: {  	[tilespmem:s9], [sflag:$0x1] =	stream.indirect.gather [hbm4b:s13+s6], $0x40, s6, s6, $0xb8;
	[tilespmem:$0x8400] =	vst v63  }
0x52: {  	_ =	swait.ge [sflag:s7], $0x8000  }
0x53: {  	[sflag:s7] =	ssyncset.done $0x0  }
0x54: {  	[sflag:s7] =	ssyncadd.s32 $0xFFFF8000  }
0x55: {  	[hbm4b:s14+s2] =	stream.linear.scatter [tilespmem:s9], [sflag:$0x2], $0x8000, $0x38;
	[tilespmem:$0x8400] =	vst v63  }
0x56: {  	_ =	swait.ge [sflag:s3], $0x8000  }
0x57: {  	[sflag:s3] =	ssyncset.done $0x0  }
0x58: {  	[sflag:s3] =	ssyncadd.s32 $0xFFFF8000  }
0x59: {  	[tilespmem:s2], [sflag:$0x2] =	stream.linear.gather [hbm4b:s15+s2], $0x200, $0x38;
	[tilespmem:$0x8400] =	vst v63  }
0x5a: {  	_ =	swait.ge [sflag:s3], $0x200  }
0x5b: {  	[sflag:s3] =	ssyncset.done $0x0  }
0x5c: {  	[sflag:s3] =	ssyncadd.s32 $0xFFFFFE00  }
0x5d: {  	[tilespmem:s6], [sflag:$0x1] =	stream.indirect.gather [hbm4b:s16+s6], $0x1, s2, s6, $0xb8;
	[tilespmem:$0x8400] =	vst v63  }
0x5e: {  	_ =	swait.ge [sflag:s7], $0x200  }
0x5f: {  	[sflag:s7] =	ssyncset.done $0x0  }
0x60: {  	[sflag:s7] =	ssyncadd.s32 $0xFFFFFE00  }
0x61: {  	[tilespmem:s9], [sflag:$0x1] =	stream.indirect.gather [hbm4b:s17+s6], $0x40, s6, s6, $0xb8;
	[tilespmem:$0x8400] =	vst v63  }
0x62: {  	_ =	swait.ge [sflag:s7], $0x8000  }
.Ltmp1:
0x63: {  	[sflag:s7] =	ssyncset.done $0x0;
	(pc) =	sbr.rel @p0 .LBB2_1-.Ltmp1, $4  }
0x64: {  	[sflag:s7] =	ssyncadd.s32 $0xFFFF8000  }
0x65: {  	[hbm4b:s18+s2] =	stream.linear.scatter [tilespmem:s9], [sflag:$0x2], $0x8000, $0x38;
	[tilespmem:$0x8400] =	vst v63  }
0x66: {  	_ =	swait.ge [sflag:s3], $0x8000  }
0x67: {  	[sflag:s3] =	ssyncset.done $0x0  }
.LBB2_2:
0x68: {  	[sflag:s3] =	ssyncadd.s32 $0xFFFF8000  }
0x69: {  	_ =	sfence.sel $0x180000  }
0x6a: {  	[bflag:$0x0] =	sbarrier.arrive $0xFFFF  }
0x6b: {  	p0 =	sne.s32 s0, $0x0;
	_ =	strace $0x9000004A  }
0x6c: {  	s0 =	sadd.s32 @!p0 $0x100000, s1;
	[bflag:$0x2] =	sbarrier.arrive $0xFFFF  }
0x6d: {  	[sflag:s0] =	ssyncadd.tile.s32 @!p0 $0x1;
	_ =	shalt  }
.Lfunc_end2:
_tile_overlayer_lowered:
.L_overlay_start_2:
0x6e: {  	(tag) =	ssettag $0x2  }
0x6f: {  	s0 =	rddreg [dreg:$0x0];
	s2 =	stileid.u32  }
0x70: {  	s1 =	rddreg [dreg:$0x1];
	p0 =	sne.s32 s2, $0x0  }
0x71: {  	s3 =	rddreg [dreg:$0x2];
	[bflag:$0x3] =	sbarrier.arrive $0xFFFF;
	s2 =	simm.s32 @!p0 $0x1C02  }
0x72: {  	[timem:s3], [sflag:s2] =	dma.local @!p0 [hbm:s0], s1  }
0x73: {  	s0 =	simm.s32 @!p0 $0x2  }
0x74: {  	_ =	swait.ge @!p0 [sflag:s0], s1  }
0x75: {  	s1 =	ssub.s32 @!p0 $0x0, s1;
	[sflag:s0] =	ssyncset.done @!p0 $0x0  }
0x76: {  	[sflag:s0] =	ssyncadd.s32 @!p0 s1  }
0x77: {  	[bflag:$0x3] =	sbarrier.arrive $0xFFFF  }
0x78: {  	_ =	shalt  }

</sc_bundles>
